<compile_context>
chip_gen: v7x
topology: tpu7x:2x2x1
jax: 0.10.2.dev20260603
libtpu: 0.0.44.dev20260713+nightly
codegen_flags: <defaults>
</compile_context>

<pallas_src>
import functools

import jax
import jax.numpy as jnp
from jax import lax
from jax.experimental import pallas as pl
from jax.experimental.pallas import tpu as pltpu
from jax.experimental.pallas import tpu_sc as plsc

N = 10000
N2 = 10240
D = 256
HALF = 128
E = 160000
EP = 163840
NC = 2
NS = 16
NPT = N2 // NS
R = 2000

_mesh = plsc.VectorSubcoreMesh(core_axis_name="c", subcore_axis_name="s")


_DEG_EDGES_PER_W = EP // (NC * NS)
_DEG_CHUNKS = _DEG_EDGES_PER_W // 128


@functools.partial(
    pl.kernel,
    out_type=(jax.ShapeDtypeStruct((N2, 128), jnp.float32),
              jax.ShapeDtypeStruct((N2, 128), jnp.float32)),
    mesh=_mesh,
    scratch_types=[
        pltpu.VMEM((128,), jnp.int32),
        pltpu.VMEM((128,), jnp.int32),
        pltpu.VMEM((128, 128), jnp.float32),
        pltpu.VMEM_SHARED((N2, 128), jnp.float32),
        pltpu.SemaphoreType.DMA,
        pltpu.SemaphoreType.DMA,
    ],
)
def _sc_deg(col_hbm, ones_hbm, zeros_hbm, d0_hbm, d1_hbm, idx_a, idx_b, ones_v,
            deg_sp, sem_a, sem_b):
    c = lax.axis_index("c")
    s = lax.axis_index("s")
    w = c * NS + s
    base = w * _DEG_EDGES_PER_W
    idxs = (idx_a, idx_b)
    sems = (sem_a, sem_b)
    pltpu.sync_copy(ones_hbm, ones_v)

    def fetch(k, p):
        pltpu.async_copy(col_hbm.at[pl.ds(base + 128 * k, 128)],
                         idxs[p], sems[p])

    def drain_scatter(k, p):
        pltpu.make_async_copy(col_hbm.at[pl.ds(base + 128 * k, 128)],
                              idxs[p], sems[p]).wait()
        pltpu.sync_copy(ones_v, deg_sp.at[idxs[p]], add=True)

    fetch(0, 0)
    fetch(1, 1)
    pltpu.sync_copy(zeros_hbm, deg_sp.at[pl.ds(s * NPT, NPT)])
    plsc.subcore_barrier()

    def step(j, carry):
        drain_scatter(2 * j, 0)
        fetch(2 * j + 2, 0)
        drain_scatter(2 * j + 1, 1)
        fetch(2 * j + 3, 1)
        return carry

    lax.fori_loop(0, _DEG_CHUNKS // 2 - 1, step, 0)
    drain_scatter(_DEG_CHUNKS - 2, 0)
    drain_scatter(_DEG_CHUNKS - 1, 1)
    plsc.subcore_barrier()

    @pl.when(c == 0)
    def _():
        pltpu.sync_copy(deg_sp.at[pl.ds(s * NPT, NPT)],
                        d0_hbm.at[pl.ds(s * NPT, NPT)])

    @pl.when(c == 1)
    def _():
        pltpu.sync_copy(deg_sp.at[pl.ds(s * NPT, NPT)],
                        d1_hbm.at[pl.ds(s * NPT, NPT)])



_PROP_EDGES_PER_T = EP // NS
CH = 64
_PROP_CHUNKS = _PROP_EDGES_PER_T // CH


@functools.partial(
    pl.kernel,
    out_type=(jax.ShapeDtypeStruct((N2, HALF), jnp.float32),
              jax.ShapeDtypeStruct((N2, HALF), jnp.float32)),
    mesh=_mesh,
    scratch_types=(
        [pltpu.VMEM((_PROP_EDGES_PER_T,), jnp.int32)]
        + [pltpu.VMEM((CH,), jnp.int32) for _ in range(4)]
        + [pltpu.VMEM((CH, HALF), jnp.float32) for _ in range(4)]
        + [pltpu.VMEM_SHARED((N2, HALF), jnp.float32)]
        + [pltpu.SemaphoreType.DMA for _ in range(8)]
    ),
)
def _sc_prop(y0_hbm, y1_hbm, row_hbm, col_hbm, a0_hbm, a1_hbm,
             row_v, col_0, col_1, col_2, col_3,
             rows_0, rows_1, rows_2, rows_3, acc_sp,
             sg0, sg1, sg2, sg3, sc0, sc1, sc2, sc3):
    c = lax.axis_index("c")
    s = lax.axis_index("s")
    base = s * _PROP_EDGES_PER_T
    NB = 4
    cols = (col_0, col_1, col_2, col_3)
    rows = (rows_0, rows_1, rows_2, rows_3)
    gsems = (sg0, sg1, sg2, sg3)
    csems = (sc0, sc1, sc2, sc3)

    def run(y_hbm, a_hbm):
        pltpu.sync_copy(y_hbm.at[pl.ds(s * NPT, NPT)],
                        acc_sp.at[pl.ds(s * NPT, NPT)])
        pltpu.sync_copy(row_hbm.at[pl.ds(base, _PROP_EDGES_PER_T)], row_v)
        plsc.subcore_barrier()

        def fetch(k, b):
            pltpu.async_copy(y_hbm.at[row_v.at[pl.ds(CH * k, CH)]],
                             rows[b], gsems[b])
            pltpu.async_copy(col_hbm.at[pl.ds(base + CH * k, CH)],
                             cols[b], csems[b])

        def drain_scatter(k, b):
            pltpu.make_async_copy(y_hbm.at[row_v.at[pl.ds(CH * k, CH)]],
                                  rows[b], gsems[b]).wait()
            pltpu.make_async_copy(col_hbm.at[pl.ds(base + CH * k, CH)],
                                  cols[b], csems[b]).wait()
            pltpu.sync_copy(rows[b], acc_sp.at[cols[b]], add=True)

        for b in range(NB):
            fetch(b, b)

        def step(j, carry):
            for b in range(NB):
                drain_scatter(NB * j + b, b)
                fetch(NB * j + NB + b, b)
            return carry

        lax.fori_loop(0, _PROP_CHUNKS // NB - 1, step, 0)
        for b in range(NB):
            drain_scatter(_PROP_CHUNKS - NB + b, b)
        plsc.subcore_barrier()
        pltpu.sync_copy(acc_sp.at[pl.ds(s * NPT, NPT)],
                        a_hbm.at[pl.ds(s * NPT, NPT)])

    @pl.when(c == 0)
    def _():
        run(y0_hbm, a0_hbm)

    @pl.when(c == 1)
    def _():
        run(y1_hbm, a1_hbm)




def _deg_from(d0, d1):
    deg = jnp.sum(d0, axis=1, keepdims=True) + jnp.sum(d1, axis=1, keepdims=True)
    return deg * (1.0 / 128.0) + 1.0


@functools.partial(
    pl.pallas_call,
    out_shape=(jax.ShapeDtypeStruct((N2, HALF), jnp.float32),
               jax.ShapeDtypeStruct((N2, HALF), jnp.float32),
               jax.ShapeDtypeStruct((N, 8), jnp.float32)),
    grid=(N // R,),
    in_specs=[
        pl.BlockSpec((R, D), lambda i: (i, 0)),
        pl.BlockSpec((D, D), lambda i: (0, 0)),
        pl.BlockSpec((R, 128), lambda i: (i, 0)),
        pl.BlockSpec((R, 128), lambda i: (i, 0)),
    ],
    out_specs=(pl.BlockSpec((R, HALF), lambda i: (i, 0)),
               pl.BlockSpec((R, HALF), lambda i: (i, 0)),
               pl.BlockSpec((R, 8), lambda i: (i, 0))),
)
def _tc_scale(h_ref, w_ref, d0_ref, d1_ref, y0_ref, y1_ref, dinv_ref):
    dinv = lax.rsqrt(_deg_from(d0_ref[...], d1_ref[...]))
    y = jnp.dot(h_ref[...], w_ref[...],
                preferred_element_type=jnp.float32) * dinv
    y0_ref[...] = y[:, :HALF]
    y1_ref[...] = y[:, HALF:]
    dinv_ref[...] = jnp.broadcast_to(dinv, (R, 8))




@functools.partial(
    pl.pallas_call,
    out_shape=jax.ShapeDtypeStruct((N, D), jnp.float32),
    grid=(2, N // R),
    in_specs=[
        pl.BlockSpec((R, HALF), lambda k, i: (i, 0)),
        pl.BlockSpec((R, HALF), lambda k, i: (i, 0)),
        pl.BlockSpec((R, 8), lambda k, i: (i, 0)),
        pl.BlockSpec((R, D), lambda k, i: (i * k, 0)),
        pl.BlockSpec((1, D), lambda k, i: (0, 0)),
        pl.BlockSpec((1, D), lambda k, i: (0, 0)),
        pl.BlockSpec((1, D), lambda k, i: (0, 0)),
    ],
    out_specs=pl.BlockSpec((R, D), lambda k, i: (i * k, 0)),
    scratch_shapes=[pltpu.VMEM((1, D), jnp.float32),
                    pltpu.VMEM((1, D), jnp.float32)],
)
def _tc_final(a0_ref, a1_ref, dinv_ref, h_ref, b_ref, g_ref, be_ref,
              out_ref, acc, accsq):
    k = pl.program_id(0)
    i = pl.program_id(1)
    dinv = dinv_ref[...][:, :1]
    pre = jnp.concatenate([a0_ref[...], a1_ref[...]], axis=1) * dinv + b_ref[...]

    @pl.when((k == 0) & (i == 0))
    def _():
        acc[...] = jnp.zeros_like(acc)
        accsq[...] = jnp.zeros_like(accsq)

    @pl.when(k == 0)
    def _():
        acc[...] += jnp.sum(pre, axis=0, keepdims=True)
        accsq[...] += jnp.sum(pre * pre, axis=0, keepdims=True)

    @pl.when(k == 1)
    def _():
        mean = acc[...] * (1.0 / N)
        var = accsq[...] * (1.0 / N) - mean * mean
        inv = lax.rsqrt(var + 1e-5)
        o = (pre - mean) * inv * g_ref[...] + be_ref[...]
        out_ref[...] = h_ref[...] + jnp.maximum(o, 0.0)




def kernel(h, edge_index, W, b, gamma, beta):
    row = edge_index[0].astype(jnp.int32)
    col = edge_index[1].astype(jnp.int32)
    pad = EP - E
    row_p = jnp.concatenate([row, jnp.zeros((pad,), jnp.int32)])
    col_p = jnp.concatenate([col, jnp.full((pad,), N, jnp.int32)])
    ones_rows = jnp.ones((128, 128), jnp.float32)
    zeros_init = jnp.zeros((NPT, 128), jnp.float32)

    d0, d1 = _sc_deg(col_p, ones_rows, zeros_init)
    y0, y1, dinvw = _tc_scale(h, W, d0, d1)
    a0, a1 = _sc_prop(y0, y1, row_p, col_p)
    out = _tc_final(a0, a1, dinvw, h,
                    b.reshape(1, D), gamma.reshape(1, D), beta.reshape(1, D))
    return out

# --- scband reference (transcript-rebuilt; emitter-appended) ---
"""Pipeline reference for scband-gcnlayer-19310172962911 (READ-ONLY COPY).

The authoritative reference and input builder live on the scoring server;
editing this copy changes nothing except your own understanding.
"""

import jax, jax.numpy as jnp
import numpy as np

N = 10000
E = 160000
D = 256

def setup_inputs(seed: int = 0) -> dict:
    key = jax.random.key(seed)
    k1, k2, k3 = jax.random.split(key, 3)
    h = jax.random.normal(k1, (N, D), dtype=jnp.float32)
    edge_index = jax.random.randint(k2, (2, E), 0, N, dtype=jnp.int64)
    # GCNConv linear weight (bias separate, added post-propagation as in PyG)
    W = jax.random.normal(k3, (D, D), dtype=jnp.float32) * (1.0 / np.sqrt(D))
    b = jnp.zeros((D,), dtype=jnp.float32)
    # BatchNorm1d affine params
    gamma = jnp.ones((D,), dtype=jnp.float32)
    beta = jnp.zeros((D,), dtype=jnp.float32)
    return {"h": h, "edge_index": edge_index, "W": W, "b": b, "gamma": gamma, "beta": beta}

def reference(h, edge_index, W, b, gamma, beta):
    n = h.shape[0]
    row = edge_index[0]
    col = edge_index[1]
    # add self loops
    loop = jnp.arange(n, dtype=edge_index.dtype)
    row = jnp.concatenate([row, loop])
    col = jnp.concatenate([col, loop])
    ew = jnp.ones(row.shape[0], dtype=h.dtype)
    # symmetric GCN normalization: deg computed on target (col)
    deg = jnp.zeros((n,), dtype=h.dtype).at[col].add(ew)
    dinv = jnp.where(deg > 0, 1.0 / jnp.sqrt(deg), 0.0)
    norm = dinv[row] * ew * dinv[col]
    # linear transform then propagate
    x = h @ W
    msg = jnp.take(x, row, axis=0) * norm[:, None]
    out = jnp.zeros_like(x).at[col].add(msg)
    out = out + b
    # BatchNorm1d (training-mode batch statistics)
    mean = jnp.mean(out, axis=0)
    var = jnp.var(out, axis=0)
    out = (out - mean) / jnp.sqrt(var + 1e-5) * gamma + beta
    # activation
    out = jax.nn.relu(out)
    # residual (in_dim == out_dim)
    out = h + out
    # dropout p=0.0 -> identity
    return out

if __name__ == "__main__":
    import jax
    _d = setup_inputs()
    print(jax.jit(kernel)(*tuple(_d.values())))

</pallas_src>

<mosaic_0001>
#map = affine_map<(d0, d1) -> (0)>
#map1 = affine_map<(d0, d1) -> (0, 0)>
module attributes {stable_mosaic.version = 14 : i64} {
  func.func @_sc_deg(%arg0: i32, %arg1: i32, %arg2: memref<163840xi32, #tpu.memory_space<hbm>>, %arg3: memref<128x128xf32, #tpu.memory_space<hbm>>, %arg4: memref<640x128xf32, #tpu.memory_space<hbm>>, %arg5: memref<10240x128xf32, #tpu.memory_space<hbm>>, %arg6: memref<10240x128xf32, #tpu.memory_space<hbm>>, %arg7: memref<128xi32, #tpu.memory_space<vmem>>, %arg8: memref<128xi32, #tpu.memory_space<vmem>>, %arg9: memref<128x128xf32, #tpu.memory_space<vmem>>, %arg10: memref<10240x128xf32, #tpu.memory_space<vmem_shared>>, %arg11: memref<!tpu.dma_semaphore, #tpu.memory_space<semaphore_mem>>, %arg12: memref<!tpu.dma_semaphore, #tpu.memory_space<semaphore_mem>>) attributes {dimension_semantics = [#tpu.dimension_semantics<core_parallel>, #tpu.dimension_semantics<subcore_parallel>], iteration_bounds = array<i64: 2, 16>, scalar_prefetch = 0 : i64, scratch_operands = 6 : i64, tpu.core_type = #tpu.core_type<sc_vector_subcore>, window_params = [{transform_indices = #map}, {transform_indices = #map1}, {transform_indices = #map1}, {transform_indices = #map1}, {transform_indices = #map1}]} {
    %mul3A = arith.constant 16 : i32
    %mul3A_0 = arith.muli %arg0, %mul3A : i32
    %add3A = arith.addi %mul3A_0, %arg1 : i32
    %mul3A_1 = arith.constant 5120 : i32
    %mul3A_2 = arith.muli %add3A, %mul3A_1 : i32
    "tpu.region"() ({
      %run_scoped3A = tpu.sem_alloc : memref<!tpu.dma_semaphore, #tpu.memory_space<semaphore_mem>>
      tpu.enqueue_dma source(%arg3 : memref<128x128xf32, #tpu.memory_space<hbm>>) target(%arg9 : memref<128x128xf32, #tpu.memory_space<vmem>>) target_semaphore(%run_scoped3A : memref<!tpu.dma_semaphore, #tpu.memory_space<semaphore_mem>>)
      tpu.wait_dma2 semaphore(%run_scoped3A : memref<!tpu.dma_semaphore, #tpu.memory_space<semaphore_mem>>) src(%arg3 : memref<128x128xf32, #tpu.memory_space<hbm>>) dst(%arg9 : memref<128x128xf32, #tpu.memory_space<vmem>>)
      tpu.yield
    }) : () -> ()
    %add3A_3 = arith.constant 0 : i32
    %add3A_4 = arith.addi %mul3A_2, %add3A_3 : i32
    %dma_start3A = tpu.memref_slice %arg2[%add3A_4] : memref<163840xi32, #tpu.memory_space<hbm>> -> memref<128xi32, #tpu.memory_space<hbm>>
    %dma_start3A_5 = tpu.memref_slice %arg2[%add3A_4] : memref<163840xi32, #tpu.memory_space<hbm>> -> memref<128xi32, #tpu.memory_space<hbm>>
    tpu.enqueue_dma source(%dma_start3A_5 : memref<128xi32, #tpu.memory_space<hbm>>) target(%arg7 : memref<128xi32, #tpu.memory_space<vmem>>) target_semaphore(%arg11 : memref<!tpu.dma_semaphore, #tpu.memory_space<semaphore_mem>>)
    %add3A_6 = arith.constant 128 : i32
    %add3A_7 = arith.addi %mul3A_2, %add3A_6 : i32
    %dma_start3A_8 = tpu.memref_slice %arg2[%add3A_7] : memref<163840xi32, #tpu.memory_space<hbm>> -> memref<128xi32, #tpu.memory_space<hbm>>
    %dma_start3A_9 = tpu.memref_slice %arg2[%add3A_7] : memref<163840xi32, #tpu.memory_space<hbm>> -> memref<128xi32, #tpu.memory_space<hbm>>
    tpu.enqueue_dma source(%dma_start3A_9 : memref<128xi32, #tpu.memory_space<hbm>>) target(%arg8 : memref<128xi32, #tpu.memory_space<vmem>>) target_semaphore(%arg12 : memref<!tpu.dma_semaphore, #tpu.memory_space<semaphore_mem>>)
    %mul3A_10 = arith.constant 640 : i32
    %mul3A_11 = arith.muli %arg1, %mul3A_10 : i32
    "tpu.region"() ({
      %run_scoped3A = tpu.sem_alloc : memref<!tpu.dma_semaphore, #tpu.memory_space<semaphore_mem>>
      %dma_start3A_32 = arith.constant 0 : i32
      %dma_start3A_33 = tpu.memref_slice %arg10[%mul3A_11, %dma_start3A_32] : memref<10240x128xf32, #tpu.memory_space<vmem_shared>> -> memref<640x128xf32, #tpu.memory_space<vmem_shared>>
      tpu.enqueue_dma source(%arg4 : memref<640x128xf32, #tpu.memory_space<hbm>>) target(%dma_start3A_33 : memref<640x128xf32, #tpu.memory_space<vmem_shared>>) target_semaphore(%run_scoped3A : memref<!tpu.dma_semaphore, #tpu.memory_space<semaphore_mem>>)
      %dma_wait3A_34 = arith.constant 0 : i32
      %dma_wait3A_35 = tpu.memref_slice %arg10[%mul3A_11, %dma_wait3A_34] : memref<10240x128xf32, #tpu.memory_space<vmem_shared>> -> memref<640x128xf32, #tpu.memory_space<vmem_shared>>
      tpu.wait_dma2 semaphore(%run_scoped3A : memref<!tpu.dma_semaphore, #tpu.memory_space<semaphore_mem>>) src(%arg4 : memref<640x128xf32, #tpu.memory_space<hbm>>) dst(%dma_wait3A_35 : memref<640x128xf32, #tpu.memory_space<vmem_shared>>)
      tpu.yield
    }) : () -> ()
    %barrier3A = arith.constant 0 : index
    tpu.barrier barrier_id(%barrier3A)
    %scan3A = arith.constant 0 : i32
    %scan3A_12 = arith.constant 0 : i32
    %scan3A_13 = arith.constant 19 : i32
    %scan3A_14 = arith.addi %scan3A_12, %scan3A_13 : i32
    %scan3A_15 = arith.constant 1 : i32
    scf.for %scan3A_32 = %scan3A_12 to %scan3A_14 step %scan3A_15  : i32 {
      %mul3A_33 = arith.constant 2 : i32
      %mul3A_34 = arith.muli %mul3A_33, %scan3A_32 : i32
      %mul3A_35 = arith.constant 128 : i32
      %mul3A_36 = arith.muli %mul3A_35, %mul3A_34 : i32
      %add3A_37 = arith.addi %mul3A_2, %mul3A_36 : i32
      %dma_wait3A_38 = tpu.memref_slice %arg2[%add3A_37] : memref<163840xi32, #tpu.memory_space<hbm>> -> memref<128xi32, #tpu.memory_space<hbm>>
      %dma_wait3A_39 = tpu.memref_slice %arg2[%add3A_37] : memref<163840xi32, #tpu.memory_space<hbm>> -> memref<128xi32, #tpu.memory_space<hbm>>
      tpu.wait_dma2 semaphore(%arg11 : memref<!tpu.dma_semaphore, #tpu.memory_space<semaphore_mem>>) src(%dma_wait3A_39 : memref<128xi32, #tpu.memory_space<hbm>>) dst(%arg7 : memref<128xi32, #tpu.memory_space<vmem>>)
      "tpu.region"() ({
        %run_scoped3A = tpu.sem_alloc : memref<!tpu.dma_semaphore, #tpu.memory_space<semaphore_mem>>
        %dma_start3A_67 = arith.constant 0 : i32
        %dma_start3A_68 = arith.constant 0 : i32
        %dma_start3A_69 = tpu.memref_slice %arg10[%dma_start3A_67, %dma_start3A_68] : memref<10240x128xf32, #tpu.memory_space<vmem_shared>> -> memref<10240x128xf32, #tpu.memory_space<vmem_shared>>
        tpu.enqueue_indirect_dma source(%arg9 : memref<128x128xf32, #tpu.memory_space<vmem>>) target(%dma_start3A_69 : memref<10240x128xf32, #tpu.memory_space<vmem_shared>>) offsets(%arg7 : memref<128xi32, #tpu.memory_space<vmem>>) semaphore(%run_scoped3A : memref<!tpu.dma_semaphore, #tpu.memory_space<semaphore_mem>>) {add = true}
        %dma_wait3A_70 = arith.constant 0 : i32
        %dma_wait3A_71 = arith.constant 0 : i32
        %dma_wait3A_72 = tpu.memref_slice %arg10[%dma_wait3A_70, %dma_wait3A_71] : memref<10240x128xf32, #tpu.memory_space<vmem_shared>> -> memref<10240x128xf32, #tpu.memory_space<vmem_shared>>
        tpu.wait_indirect_dma semaphore(%run_scoped3A : memref<!tpu.dma_semaphore, #tpu.memory_space<semaphore_mem>>) src(%arg9 : memref<128x128xf32, #tpu.memory_space<vmem>>) dst(%dma_wait3A_72 : memref<10240x128xf32, #tpu.memory_space<vmem_shared>>)
        tpu.yield
      }) : () -> ()
      %mul3A_40 = arith.constant 2 : i32
      %mul3A_41 = arith.muli %mul3A_40, %scan3A_32 : i32
      %add3A_42 = arith.constant 2 : i32
      %add3A_43 = arith.addi %mul3A_41, %add3A_42 : i32
      %mul3A_44 = arith.constant 128 : i32
      %mul3A_45 = arith.muli %mul3A_44, %add3A_43 : i32
      %add3A_46 = arith.addi %mul3A_2, %mul3A_45 : i32
      %dma_start3A_47 = tpu.memref_slice %arg2[%add3A_46] : memref<163840xi32, #tpu.memory_space<hbm>> -> memref<128xi32, #tpu.memory_space<hbm>>
      %dma_start3A_48 = tpu.memref_slice %arg2[%add3A_46] : memref<163840xi32, #tpu.memory_space<hbm>> -> memref<128xi32, #tpu.memory_space<hbm>>
      tpu.enqueue_dma source(%dma_start3A_48 : memref<128xi32, #tpu.memory_space<hbm>>) target(%arg7 : memref<128xi32, #tpu.memory_space<vmem>>) target_semaphore(%arg11 : memref<!tpu.dma_semaphore, #tpu.memory_space<semaphore_mem>>)
      %mul3A_49 = arith.constant 2 : i32
      %mul3A_50 = arith.muli %mul3A_49, %scan3A_32 : i32
      %add3A_51 = arith.constant 1 : i32
      %add3A_52 = arith.addi %mul3A_50, %add3A_51 : i32
      %mul3A_53 = arith.constant 128 : i32
      %mul3A_54 = arith.muli %mul3A_53, %add3A_52 : i32
      %add3A_55 = arith.addi %mul3A_2, %mul3A_54 : i32
      %dma_wait3A_56 = tpu.memref_slice %arg2[%add3A_55] : memref<163840xi32, #tpu.memory_space<hbm>> -> memref<128xi32, #tpu.memory_space<hbm>>
      %dma_wait3A_57 = tpu.memref_slice %arg2[%add3A_55] : memref<163840xi32, #tpu.memory_space<hbm>> -> memref<128xi32, #tpu.memory_space<hbm>>
      tpu.wait_dma2 semaphore(%arg12 : memref<!tpu.dma_semaphore, #tpu.memory_space<semaphore_mem>>) src(%dma_wait3A_57 : memref<128xi32, #tpu.memory_space<hbm>>) dst(%arg8 : memref<128xi32, #tpu.memory_space<vmem>>)
      "tpu.region"() ({
        %run_scoped3A = tpu.sem_alloc : memref<!tpu.dma_semaphore, #tpu.memory_space<semaphore_mem>>
        %dma_start3A_67 = arith.constant 0 : i32
        %dma_start3A_68 = arith.constant 0 : i32
        %dma_start3A_69 = tpu.memref_slice %arg10[%dma_start3A_67, %dma_start3A_68] : memref<10240x128xf32, #tpu.memory_space<vmem_shared>> -> memref<10240x128xf32, #tpu.memory_space<vmem_shared>>
        tpu.enqueue_indirect_dma source(%arg9 : memref<128x128xf32, #tpu.memory_space<vmem>>) target(%dma_start3A_69 : memref<10240x128xf32, #tpu.memory_space<vmem_shared>>) offsets(%arg8 : memref<128xi32, #tpu.memory_space<vmem>>) semaphore(%run_scoped3A : memref<!tpu.dma_semaphore, #tpu.memory_space<semaphore_mem>>) {add = true}
        %dma_wait3A_70 = arith.constant 0 : i32
        %dma_wait3A_71 = arith.constant 0 : i32
        %dma_wait3A_72 = tpu.memref_slice %arg10[%dma_wait3A_70, %dma_wait3A_71] : memref<10240x128xf32, #tpu.memory_space<vmem_shared>> -> memref<10240x128xf32, #tpu.memory_space<vmem_shared>>
        tpu.wait_indirect_dma semaphore(%run_scoped3A : memref<!tpu.dma_semaphore, #tpu.memory_space<semaphore_mem>>) src(%arg9 : memref<128x128xf32, #tpu.memory_space<vmem>>) dst(%dma_wait3A_72 : memref<10240x128xf32, #tpu.memory_space<vmem_shared>>)
        tpu.yield
      }) : () -> ()
      %mul3A_58 = arith.constant 2 : i32
      %mul3A_59 = arith.muli %mul3A_58, %scan3A_32 : i32
      %add3A_60 = arith.constant 3 : i32
      %add3A_61 = arith.addi %mul3A_59, %add3A_60 : i32
      %mul3A_62 = arith.constant 128 : i32
      %mul3A_63 = arith.muli %mul3A_62, %add3A_61 : i32
      %add3A_64 = arith.addi %mul3A_2, %mul3A_63 : i32
      %dma_start3A_65 = tpu.memref_slice %arg2[%add3A_64] : memref<163840xi32, #tpu.memory_space<hbm>> -> memref<128xi32, #tpu.memory_space<hbm>>
      %dma_start3A_66 = tpu.memref_slice %arg2[%add3A_64] : memref<163840xi32, #tpu.memory_space<hbm>> -> memref<128xi32, #tpu.memory_space<hbm>>
      tpu.enqueue_dma source(%dma_start3A_66 : memref<128xi32, #tpu.memory_space<hbm>>) target(%arg8 : memref<128xi32, #tpu.memory_space<vmem>>) target_semaphore(%arg12 : memref<!tpu.dma_semaphore, #tpu.memory_space<semaphore_mem>>)
    }
    %scan3A_16 = arith.constant 19 : i32
    %add3A_17 = arith.constant 4864 : i32
    %add3A_18 = arith.addi %mul3A_2, %add3A_17 : i32
    %dma_wait3A = tpu.memref_slice %arg2[%add3A_18] : memref<163840xi32, #tpu.memory_space<hbm>> -> memref<128xi32, #tpu.memory_space<hbm>>
    %dma_wait3A_19 = tpu.memref_slice %arg2[%add3A_18] : memref<163840xi32, #tpu.memory_space<hbm>> -> memref<128xi32, #tpu.memory_space<hbm>>
    tpu.wait_dma2 semaphore(%arg11 : memref<!tpu.dma_semaphore, #tpu.memory_space<semaphore_mem>>) src(%dma_wait3A_19 : memref<128xi32, #tpu.memory_space<hbm>>) dst(%arg7 : memref<128xi32, #tpu.memory_space<vmem>>)
    "tpu.region"() ({
      %run_scoped3A = tpu.sem_alloc : memref<!tpu.dma_semaphore, #tpu.memory_space<semaphore_mem>>
      %dma_start3A_32 = arith.constant 0 : i32
      %dma_start3A_33 = arith.constant 0 : i32
      %dma_start3A_34 = tpu.memref_slice %arg10[%dma_start3A_32, %dma_start3A_33] : memref<10240x128xf32, #tpu.memory_space<vmem_shared>> -> memref<10240x128xf32, #tpu.memory_space<vmem_shared>>
      tpu.enqueue_indirect_dma source(%arg9 : memref<128x128xf32, #tpu.memory_space<vmem>>) target(%dma_start3A_34 : memref<10240x128xf32, #tpu.memory_space<vmem_shared>>) offsets(%arg7 : memref<128xi32, #tpu.memory_space<vmem>>) semaphore(%run_scoped3A : memref<!tpu.dma_semaphore, #tpu.memory_space<semaphore_mem>>) {add = true}
      %dma_wait3A_35 = arith.constant 0 : i32
      %dma_wait3A_36 = arith.constant 0 : i32
      %dma_wait3A_37 = tpu.memref_slice %arg10[%dma_wait3A_35, %dma_wait3A_36] : memref<10240x128xf32, #tpu.memory_space<vmem_shared>> -> memref<10240x128xf32, #tpu.memory_space<vmem_shared>>
      tpu.wait_indirect_dma semaphore(%run_scoped3A : memref<!tpu.dma_semaphore, #tpu.memory_space<semaphore_mem>>) src(%arg9 : memref<128x128xf32, #tpu.memory_space<vmem>>) dst(%dma_wait3A_37 : memref<10240x128xf32, #tpu.memory_space<vmem_shared>>)
      tpu.yield
    }) : () -> ()
    %add3A_20 = arith.constant 4992 : i32
    %add3A_21 = arith.addi %mul3A_2, %add3A_20 : i32
    %dma_wait3A_22 = tpu.memref_slice %arg2[%add3A_21] : memref<163840xi32, #tpu.memory_space<hbm>> -> memref<128xi32, #tpu.memory_space<hbm>>
    %dma_wait3A_23 = tpu.memref_slice %arg2[%add3A_21] : memref<163840xi32, #tpu.memory_space<hbm>> -> memref<128xi32, #tpu.memory_space<hbm>>
    tpu.wait_dma2 semaphore(%arg12 : memref<!tpu.dma_semaphore, #tpu.memory_space<semaphore_mem>>) src(%dma_wait3A_23 : memref<128xi32, #tpu.memory_space<hbm>>) dst(%arg8 : memref<128xi32, #tpu.memory_space<vmem>>)
    "tpu.region"() ({
      %run_scoped3A = tpu.sem_alloc : memref<!tpu.dma_semaphore, #tpu.memory_space<semaphore_mem>>
      %dma_start3A_32 = arith.constant 0 : i32
      %dma_start3A_33 = arith.constant 0 : i32
      %dma_start3A_34 = tpu.memref_slice %arg10[%dma_start3A_32, %dma_start3A_33] : memref<10240x128xf32, #tpu.memory_space<vmem_shared>> -> memref<10240x128xf32, #tpu.memory_space<vmem_shared>>
      tpu.enqueue_indirect_dma source(%arg9 : memref<128x128xf32, #tpu.memory_space<vmem>>) target(%dma_start3A_34 : memref<10240x128xf32, #tpu.memory_space<vmem_shared>>) offsets(%arg8 : memref<128xi32, #tpu.memory_space<vmem>>) semaphore(%run_scoped3A : memref<!tpu.dma_semaphore, #tpu.memory_space<semaphore_mem>>) {add = true}
      %dma_wait3A_35 = arith.constant 0 : i32
      %dma_wait3A_36 = arith.constant 0 : i32
      %dma_wait3A_37 = tpu.memref_slice %arg10[%dma_wait3A_35, %dma_wait3A_36] : memref<10240x128xf32, #tpu.memory_space<vmem_shared>> -> memref<10240x128xf32, #tpu.memory_space<vmem_shared>>
      tpu.wait_indirect_dma semaphore(%run_scoped3A : memref<!tpu.dma_semaphore, #tpu.memory_space<semaphore_mem>>) src(%arg9 : memref<128x128xf32, #tpu.memory_space<vmem>>) dst(%dma_wait3A_37 : memref<10240x128xf32, #tpu.memory_space<vmem_shared>>)
      tpu.yield
    }) : () -> ()
    %barrier3A_24 = arith.constant 0 : index
    tpu.barrier barrier_id(%barrier3A_24)
    %eq3A = arith.constant 0 : i32
    %eq3A_25 = arith.cmpi eq, %arg0, %eq3A : i32
    %convert_element_type3A = arith.extui %eq3A_25 : i1 to i32
    %cond3A = arith.constant 0 : i32
    %cond3A_26 = arith.cmpi ne, %convert_element_type3A, %cond3A : i32
    scf.if %cond3A_26 {
      %mul3A_32 = arith.constant 640 : i32
      %mul3A_33 = arith.muli %arg1, %mul3A_32 : i32
      %mul3A_34 = arith.constant 640 : i32
      %mul3A_35 = arith.muli %arg1, %mul3A_34 : i32
      "tpu.region"() ({
        %run_scoped3A = tpu.sem_alloc : memref<!tpu.dma_semaphore, #tpu.memory_space<semaphore_mem>>
        %dma_start3A_36 = arith.constant 0 : i32
        %dma_start3A_37 = tpu.memref_slice %arg5[%mul3A_35, %dma_start3A_36] : memref<10240x128xf32, #tpu.memory_space<hbm>> -> memref<640x128xf32, #tpu.memory_space<hbm>>
        %dma_start3A_38 = arith.constant 0 : i32
        %dma_start3A_39 = tpu.memref_slice %arg10[%mul3A_33, %dma_start3A_38] : memref<10240x128xf32, #tpu.memory_space<vmem_shared>> -> memref<640x128xf32, #tpu.memory_space<vmem_shared>>
        tpu.enqueue_dma source(%dma_start3A_39 : memref<640x128xf32, #tpu.memory_space<vmem_shared>>) target(%dma_start3A_37 : memref<640x128xf32, #tpu.memory_space<hbm>>) target_semaphore(%run_scoped3A : memref<!tpu.dma_semaphore, #tpu.memory_space<semaphore_mem>>)
        %dma_wait3A_40 = arith.constant 0 : i32
        %dma_wait3A_41 = tpu.memref_slice %arg5[%mul3A_35, %dma_wait3A_40] : memref<10240x128xf32, #tpu.memory_space<hbm>> -> memref<640x128xf32, #tpu.memory_space<hbm>>
        %dma_wait3A_42 = arith.constant 0 : i32
        %dma_wait3A_43 = tpu.memref_slice %arg10[%mul3A_33, %dma_wait3A_42] : memref<10240x128xf32, #tpu.memory_space<vmem_shared>> -> memref<640x128xf32, #tpu.memory_space<vmem_shared>>
        tpu.wait_dma2 semaphore(%run_scoped3A : memref<!tpu.dma_semaphore, #tpu.memory_space<semaphore_mem>>) src(%dma_wait3A_43 : memref<640x128xf32, #tpu.memory_space<vmem_shared>>) dst(%dma_wait3A_41 : memref<640x128xf32, #tpu.memory_space<hbm>>)
        tpu.yield
      }) : () -> ()
    } else {
    }
    %eq3A_27 = arith.constant 1 : i32
    %eq3A_28 = arith.cmpi eq, %arg0, %eq3A_27 : i32
    %convert_element_type3A_29 = arith.extui %eq3A_28 : i1 to i32
    %cond3A_30 = arith.constant 0 : i32
    %cond3A_31 = arith.cmpi ne, %convert_element_type3A_29, %cond3A_30 : i32
    scf.if %cond3A_31 {
      %mul3A_32 = arith.constant 640 : i32
      %mul3A_33 = arith.muli %arg1, %mul3A_32 : i32
      %mul3A_34 = arith.constant 640 : i32
      %mul3A_35 = arith.muli %arg1, %mul3A_34 : i32
      "tpu.region"() ({
        %run_scoped3A = tpu.sem_alloc : memref<!tpu.dma_semaphore, #tpu.memory_space<semaphore_mem>>
        %dma_start3A_36 = arith.constant 0 : i32
        %dma_start3A_37 = tpu.memref_slice %arg6[%mul3A_35, %dma_start3A_36] : memref<10240x128xf32, #tpu.memory_space<hbm>> -> memref<640x128xf32, #tpu.memory_space<hbm>>
        %dma_start3A_38 = arith.constant 0 : i32
        %dma_start3A_39 = tpu.memref_slice %arg10[%mul3A_33, %dma_start3A_38] : memref<10240x128xf32, #tpu.memory_space<vmem_shared>> -> memref<640x128xf32, #tpu.memory_space<vmem_shared>>
        tpu.enqueue_dma source(%dma_start3A_39 : memref<640x128xf32, #tpu.memory_space<vmem_shared>>) target(%dma_start3A_37 : memref<640x128xf32, #tpu.memory_space<hbm>>) target_semaphore(%run_scoped3A : memref<!tpu.dma_semaphore, #tpu.memory_space<semaphore_mem>>)
        %dma_wait3A_40 = arith.constant 0 : i32
        %dma_wait3A_41 = tpu.memref_slice %arg6[%mul3A_35, %dma_wait3A_40] : memref<10240x128xf32, #tpu.memory_space<hbm>> -> memref<640x128xf32, #tpu.memory_space<hbm>>
        %dma_wait3A_42 = arith.constant 0 : i32
        %dma_wait3A_43 = tpu.memref_slice %arg10[%mul3A_33, %dma_wait3A_42] : memref<10240x128xf32, #tpu.memory_space<vmem_shared>> -> memref<640x128xf32, #tpu.memory_space<vmem_shared>>
        tpu.wait_dma2 semaphore(%run_scoped3A : memref<!tpu.dma_semaphore, #tpu.memory_space<semaphore_mem>>) src(%dma_wait3A_43 : memref<640x128xf32, #tpu.memory_space<vmem_shared>>) dst(%dma_wait3A_41 : memref<640x128xf32, #tpu.memory_space<hbm>>)
        tpu.yield
      }) : () -> ()
    } else {
    }
    return
  }
}

#map = affine_map<(d0, d1) -> (0, 0)>
#map1 = affine_map<(d0, d1) -> (0)>
module attributes {stable_mosaic.version = 14 : i64} {
  func.func @_sc_prop(%arg0: i32, %arg1: i32, %arg2: memref<10240x128xf32, #tpu.memory_space<hbm>>, %arg3: memref<10240x128xf32, #tpu.memory_space<hbm>>, %arg4: memref<163840xi32, #tpu.memory_space<hbm>>, %arg5: memref<163840xi32, #tpu.memory_space<hbm>>, %arg6: memref<10240x128xf32, #tpu.memory_space<hbm>>, %arg7: memref<10240x128xf32, #tpu.memory_space<hbm>>, %arg8: memref<10240xi32, #tpu.memory_space<vmem>>, %arg9: memref<64xi32, #tpu.memory_space<vmem>>, %arg10: memref<64xi32, #tpu.memory_space<vmem>>, %arg11: memref<64xi32, #tpu.memory_space<vmem>>, %arg12: memref<64xi32, #tpu.memory_space<vmem>>, %arg13: memref<64x128xf32, #tpu.memory_space<vmem>>, %arg14: memref<64x128xf32, #tpu.memory_space<vmem>>, %arg15: memref<64x128xf32, #tpu.memory_space<vmem>>, %arg16: memref<64x128xf32, #tpu.memory_space<vmem>>, %arg17: memref<10240x128xf32, #tpu.memory_space<vmem_shared>>, %arg18: memref<!tpu.dma_semaphore, #tpu.memory_space<semaphore_mem>>, %arg19: memref<!tpu.dma_semaphore, #tpu.memory_space<semaphore_mem>>, %arg20: memref<!tpu.dma_semaphore, #tpu.memory_space<semaphore_mem>>, %arg21: memref<!tpu.dma_semaphore, #tpu.memory_space<semaphore_mem>>, %arg22: memref<!tpu.dma_semaphore, #tpu.memory_space<semaphore_mem>>, %arg23: memref<!tpu.dma_semaphore, #tpu.memory_space<semaphore_mem>>, %arg24: memref<!tpu.dma_semaphore, #tpu.memory_space<semaphore_mem>>, %arg25: memref<!tpu.dma_semaphore, #tpu.memory_space<semaphore_mem>>) attributes {dimension_semantics = [#tpu.dimension_semantics<core_parallel>, #tpu.dimension_semantics<subcore_parallel>], iteration_bounds = array<i64: 2, 16>, scalar_prefetch = 0 : i64, scratch_operands = 18 : i64, tpu.core_type = #tpu.core_type<sc_vector_subcore>, window_params = [{transform_indices = #map}, {transform_indices = #map}, {transform_indices = #map1}, {transform_indices = #map1}, {transform_indices = #map}, {transform_indices = #map}]} {
    %mul3A = arith.constant 10240 : i32
    %mul3A_0 = arith.muli %arg1, %mul3A : i32
    %eq3A = arith.constant 0 : i32
    %eq3A_1 = arith.cmpi eq, %arg0, %eq3A : i32
    %convert_element_type3A = arith.extui %eq3A_1 : i1 to i32
    %cond3A = arith.constant 0 : i32
    %cond3A_2 = arith.cmpi ne, %convert_element_type3A, %cond3A : i32
    scf.if %cond3A_2 {
      %mul3A_8 = arith.constant 640 : i32
      %mul3A_9 = arith.muli %arg1, %mul3A_8 : i32
      %mul3A_10 = arith.constant 640 : i32
      %mul3A_11 = arith.muli %arg1, %mul3A_10 : i32
      "tpu.region"() ({
        %run_scoped3A = tpu.sem_alloc : memref<!tpu.dma_semaphore, #tpu.memory_space<semaphore_mem>>
        %dma_start3A_91 = arith.constant 0 : i32
        %dma_start3A_92 = tpu.memref_slice %arg17[%mul3A_11, %dma_start3A_91] : memref<10240x128xf32, #tpu.memory_space<vmem_shared>> -> memref<640x128xf32, #tpu.memory_space<vmem_shared>>
        %dma_start3A_93 = arith.constant 0 : i32
        %dma_start3A_94 = tpu.memref_slice %arg2[%mul3A_9, %dma_start3A_93] : memref<10240x128xf32, #tpu.memory_space<hbm>> -> memref<640x128xf32, #tpu.memory_space<hbm>>
        tpu.enqueue_dma source(%dma_start3A_94 : memref<640x128xf32, #tpu.memory_space<hbm>>) target(%dma_start3A_92 : memref<640x128xf32, #tpu.memory_space<vmem_shared>>) target_semaphore(%run_scoped3A : memref<!tpu.dma_semaphore, #tpu.memory_space<semaphore_mem>>)
        %dma_wait3A_95 = arith.constant 0 : i32
        %dma_wait3A_96 = tpu.memref_slice %arg17[%mul3A_11, %dma_wait3A_95] : memref<10240x128xf32, #tpu.memory_space<vmem_shared>> -> memref<640x128xf32, #tpu.memory_space<vmem_shared>>
        %dma_wait3A_97 = arith.constant 0 : i32
        %dma_wait3A_98 = tpu.memref_slice %arg2[%mul3A_9, %dma_wait3A_97] : memref<10240x128xf32, #tpu.memory_space<hbm>> -> memref<640x128xf32, #tpu.memory_space<hbm>>
        tpu.wait_dma2 semaphore(%run_scoped3A : memref<!tpu.dma_semaphore, #tpu.memory_space<semaphore_mem>>) src(%dma_wait3A_98 : memref<640x128xf32, #tpu.memory_space<hbm>>) dst(%dma_wait3A_96 : memref<640x128xf32, #tpu.memory_space<vmem_shared>>)
        tpu.yield
      }) : () -> ()
      "tpu.region"() ({
        %run_scoped3A = tpu.sem_alloc : memref<!tpu.dma_semaphore, #tpu.memory_space<semaphore_mem>>
        %dma_start3A_91 = tpu.memref_slice %arg4[%mul3A_0] : memref<163840xi32, #tpu.memory_space<hbm>> -> memref<10240xi32, #tpu.memory_space<hbm>>
        %dma_start3A_92 = tpu.memref_slice %arg4[%mul3A_0] : memref<163840xi32, #tpu.memory_space<hbm>> -> memref<10240xi32, #tpu.memory_space<hbm>>
        tpu.enqueue_dma source(%dma_start3A_92 : memref<10240xi32, #tpu.memory_space<hbm>>) target(%arg8 : memref<10240xi32, #tpu.memory_space<vmem>>) target_semaphore(%run_scoped3A : memref<!tpu.dma_semaphore, #tpu.memory_space<semaphore_mem>>)
        %dma_wait3A_93 = tpu.memref_slice %arg4[%mul3A_0] : memref<163840xi32, #tpu.memory_space<hbm>> -> memref<10240xi32, #tpu.memory_space<hbm>>
        %dma_wait3A_94 = tpu.memref_slice %arg4[%mul3A_0] : memref<163840xi32, #tpu.memory_space<hbm>> -> memref<10240xi32, #tpu.memory_space<hbm>>
        tpu.wait_dma2 semaphore(%run_scoped3A : memref<!tpu.dma_semaphore, #tpu.memory_space<semaphore_mem>>) src(%dma_wait3A_94 : memref<10240xi32, #tpu.memory_space<hbm>>) dst(%arg8 : memref<10240xi32, #tpu.memory_space<vmem>>)
        tpu.yield
      }) : () -> ()
      %barrier3A = arith.constant 0 : index
      tpu.barrier barrier_id(%barrier3A)
      %dma_start3A = arith.constant 0 : i32
      %dma_start3A_12 = tpu.memref_slice %arg8[%dma_start3A] : memref<10240xi32, #tpu.memory_space<vmem>> -> memref<64xi32, #tpu.memory_space<vmem>>
      %dma_start3A_13 = arith.constant 0 : i32
      %dma_start3A_14 = arith.constant 0 : i32
      %dma_start3A_15 = tpu.memref_slice %arg2[%dma_start3A_13, %dma_start3A_14] : memref<10240x128xf32, #tpu.memory_space<hbm>> -> memref<10240x128xf32, #tpu.memory_space<hbm>>
      tpu.enqueue_indirect_dma source(%dma_start3A_15 : memref<10240x128xf32, #tpu.memory_space<hbm>>) target(%arg13 : memref<64x128xf32, #tpu.memory_space<vmem>>) offsets(%dma_start3A_12 : memref<64xi32, #tpu.memory_space<vmem>>) semaphore(%arg18 : memref<!tpu.dma_semaphore, #tpu.memory_space<semaphore_mem>>)
      %add3A = arith.constant 0 : i32
      %add3A_16 = arith.addi %mul3A_0, %add3A : i32
      %dma_start3A_17 = tpu.memref_slice %arg5[%add3A_16] : memref<163840xi32, #tpu.memory_space<hbm>> -> memref<64xi32, #tpu.memory_space<hbm>>
      %dma_start3A_18 = tpu.memref_slice %arg5[%add3A_16] : memref<163840xi32, #tpu.memory_space<hbm>> -> memref<64xi32, #tpu.memory_space<hbm>>
      tpu.enqueue_dma source(%dma_start3A_18 : memref<64xi32, #tpu.memory_space<hbm>>) target(%arg9 : memref<64xi32, #tpu.memory_space<vmem>>) target_semaphore(%arg22 : memref<!tpu.dma_semaphore, #tpu.memory_space<semaphore_mem>>)
      %dma_start3A_19 = arith.constant 64 : i32
      %dma_start3A_20 = tpu.memref_slice %arg8[%dma_start3A_19] : memref<10240xi32, #tpu.memory_space<vmem>> -> memref<64xi32, #tpu.memory_space<vmem>>
      %dma_start3A_21 = arith.constant 0 : i32
      %dma_start3A_22 = arith.constant 0 : i32
      %dma_start3A_23 = tpu.memref_slice %arg2[%dma_start3A_21, %dma_start3A_22] : memref<10240x128xf32, #tpu.memory_space<hbm>> -> memref<10240x128xf32, #tpu.memory_space<hbm>>
      tpu.enqueue_indirect_dma source(%dma_start3A_23 : memref<10240x128xf32, #tpu.memory_space<hbm>>) target(%arg14 : memref<64x128xf32, #tpu.memory_space<vmem>>) offsets(%dma_start3A_20 : memref<64xi32, #tpu.memory_space<vmem>>) semaphore(%arg19 : memref<!tpu.dma_semaphore, #tpu.memory_space<semaphore_mem>>)
      %add3A_24 = arith.constant 64 : i32
      %add3A_25 = arith.addi %mul3A_0, %add3A_24 : i32
      %dma_start3A_26 = tpu.memref_slice %arg5[%add3A_25] : memref<163840xi32, #tpu.memory_space<hbm>> -> memref<64xi32, #tpu.memory_space<hbm>>
      %dma_start3A_27 = tpu.memref_slice %arg5[%add3A_25] : memref<163840xi32, #tpu.memory_space<hbm>> -> memref<64xi32, #tpu.memory_space<hbm>>
      tpu.enqueue_dma source(%dma_start3A_27 : memref<64xi32, #tpu.memory_space<hbm>>) target(%arg10 : memref<64xi32, #tpu.memory_space<vmem>>) target_semaphore(%arg23 : memref<!tpu.dma_semaphore, #tpu.memory_space<semaphore_mem>>)
      %dma_start3A_28 = arith.constant 128 : i32
      %dma_start3A_29 = tpu.memref_slice %arg8[%dma_start3A_28] : memref<10240xi32, #tpu.memory_space<vmem>> -> memref<64xi32, #tpu.memory_space<vmem>>
      %dma_start3A_30 = arith.constant 0 : i32
      %dma_start3A_31 = arith.constant 0 : i32
      %dma_start3A_32 = tpu.memref_slice %arg2[%dma_start3A_30, %dma_start3A_31] : memref<10240x128xf32, #tpu.memory_space<hbm>> -> memref<10240x128xf32, #tpu.memory_space<hbm>>
      tpu.enqueue_indirect_dma source(%dma_start3A_32 : memref<10240x128xf32, #tpu.memory_space<hbm>>) target(%arg15 : memref<64x128xf32, #tpu.memory_space<vmem>>) offsets(%dma_start3A_29 : memref<64xi32, #tpu.memory_space<vmem>>) semaphore(%arg20 : memref<!tpu.dma_semaphore, #tpu.memory_space<semaphore_mem>>)
      %add3A_33 = arith.constant 128 : i32
      %add3A_34 = arith.addi %mul3A_0, %add3A_33 : i32
      %dma_start3A_35 = tpu.memref_slice %arg5[%add3A_34] : memref<163840xi32, #tpu.memory_space<hbm>> -> memref<64xi32, #tpu.memory_space<hbm>>
      %dma_start3A_36 = tpu.memref_slice %arg5[%add3A_34] : memref<163840xi32, #tpu.memory_space<hbm>> -> memref<64xi32, #tpu.memory_space<hbm>>
      tpu.enqueue_dma source(%dma_start3A_36 : memref<64xi32, #tpu.memory_space<hbm>>) target(%arg11 : memref<64xi32, #tpu.memory_space<vmem>>) target_semaphore(%arg24 : memref<!tpu.dma_semaphore, #tpu.memory_space<semaphore_mem>>)
      %dma_start3A_37 = arith.constant 192 : i32
      %dma_start3A_38 = tpu.memref_slice %arg8[%dma_start3A_37] : memref<10240xi32, #tpu.memory_space<vmem>> -> memref<64xi32, #tpu.memory_space<vmem>>
      %dma_start3A_39 = arith.constant 0 : i32
      %dma_start3A_40 = arith.constant 0 : i32
      %dma_start3A_41 = tpu.memref_slice %arg2[%dma_start3A_39, %dma_start3A_40] : memref<10240x128xf32, #tpu.memory_space<hbm>> -> memref<10240x128xf32, #tpu.memory_space<hbm>>
      tpu.enqueue_indirect_dma source(%dma_start3A_41 : memref<10240x128xf32, #tpu.memory_space<hbm>>) target(%arg16 : memref<64x128xf32, #tpu.memory_space<vmem>>) offsets(%dma_start3A_38 : memref<64xi32, #tpu.memory_space<vmem>>) semaphore(%arg21 : memref<!tpu.dma_semaphore, #tpu.memory_space<semaphore_mem>>)
      %add3A_42 = arith.constant 192 : i32
      %add3A_43 = arith.addi %mul3A_0, %add3A_42 : i32
      %dma_start3A_44 = tpu.memref_slice %arg5[%add3A_43] : memref<163840xi32, #tpu.memory_space<hbm>> -> memref<64xi32, #tpu.memory_space<hbm>>
      %dma_start3A_45 = tpu.memref_slice %arg5[%add3A_43] : memref<163840xi32, #tpu.memory_space<hbm>> -> memref<64xi32, #tpu.memory_space<hbm>>
      tpu.enqueue_dma source(%dma_start3A_45 : memref<64xi32, #tpu.memory_space<hbm>>) target(%arg12 : memref<64xi32, #tpu.memory_space<vmem>>) target_semaphore(%arg25 : memref<!tpu.dma_semaphore, #tpu.memory_space<semaphore_mem>>)
      %scan3A = arith.constant 0 : i32
      %scan3A_46 = arith.constant 0 : i32
      %scan3A_47 = arith.constant 39 : i32
      %scan3A_48 = arith.addi %scan3A_46, %scan3A_47 : i32
      %scan3A_49 = arith.constant 1 : i32
      scf.for %scan3A_91 = %scan3A_46 to %scan3A_48 step %scan3A_49  : i32 {
        %mul3A_92 = arith.constant 4 : i32
        %mul3A_93 = arith.muli %mul3A_92, %scan3A_91 : i32
        %add3A_94 = arith.constant 0 : i32
        %add3A_95 = arith.addi %mul3A_93, %add3A_94 : i32
        %mul3A_96 = arith.constant 64 : i32
        %mul3A_97 = arith.muli %mul3A_96, %add3A_95 : i32
        %dma_wait3A_98 = tpu.memref_slice %arg8[%mul3A_97] : memref<10240xi32, #tpu.memory_space<vmem>> -> memref<64xi32, #tpu.memory_space<vmem>>
        %dma_wait3A_99 = arith.constant 0 : i32
        %dma_wait3A_100 = arith.constant 0 : i32
        %dma_wait3A_101 = tpu.memref_slice %arg2[%dma_wait3A_99, %dma_wait3A_100] : memref<10240x128xf32, #tpu.memory_space<hbm>> -> memref<10240x128xf32, #tpu.memory_space<hbm>>
        tpu.wait_indirect_dma semaphore(%arg18 : memref<!tpu.dma_semaphore, #tpu.memory_space<semaphore_mem>>) src(%dma_wait3A_101 : memref<10240x128xf32, #tpu.memory_space<hbm>>) dst(%arg13 : memref<64x128xf32, #tpu.memory_space<vmem>>)
        %mul3A_102 = arith.constant 64 : i32
        %mul3A_103 = arith.muli %mul3A_102, %add3A_95 : i32
        %add3A_104 = arith.addi %mul3A_0, %mul3A_103 : i32
        %dma_wait3A_105 = tpu.memref_slice %arg5[%add3A_104] : memref<163840xi32, #tpu.memory_space<hbm>> -> memref<64xi32, #tpu.memory_space<hbm>>
        %dma_wait3A_106 = tpu.memref_slice %arg5[%add3A_104] : memref<163840xi32, #tpu.memory_space<hbm>> -> memref<64xi32, #tpu.memory_space<hbm>>
        tpu.wait_dma2 semaphore(%arg22 : memref<!tpu.dma_semaphore, #tpu.memory_space<semaphore_mem>>) src(%dma_wait3A_106 : memref<64xi32, #tpu.memory_space<hbm>>) dst(%arg9 : memref<64xi32, #tpu.memory_space<vmem>>)
        "tpu.region"() ({
          %run_scoped3A = tpu.sem_alloc : memref<!tpu.dma_semaphore, #tpu.memory_space<semaphore_mem>>
          %dma_start3A_220 = arith.constant 0 : i32
          %dma_start3A_221 = arith.constant 0 : i32
          %dma_start3A_222 = tpu.memref_slice %arg17[%dma_start3A_220, %dma_start3A_221] : memref<10240x128xf32, #tpu.memory_space<vmem_shared>> -> memref<10240x128xf32, #tpu.memory_space<vmem_shared>>
          tpu.enqueue_indirect_dma source(%arg13 : memref<64x128xf32, #tpu.memory_space<vmem>>) target(%dma_start3A_222 : memref<10240x128xf32, #tpu.memory_space<vmem_shared>>) offsets(%arg9 : memref<64xi32, #tpu.memory_space<vmem>>) semaphore(%run_scoped3A : memref<!tpu.dma_semaphore, #tpu.memory_space<semaphore_mem>>) {add = true}
          %dma_wait3A_223 = arith.constant 0 : i32
          %dma_wait3A_224 = arith.constant 0 : i32
          %dma_wait3A_225 = tpu.memref_slice %arg17[%dma_wait3A_223, %dma_wait3A_224] : memref<10240x128xf32, #tpu.memory_space<vmem_shared>> -> memref<10240x128xf32, #tpu.memory_space<vmem_shared>>
          tpu.wait_indirect_dma semaphore(%run_scoped3A : memref<!tpu.dma_semaphore, #tpu.memory_space<semaphore_mem>>) src(%arg13 : memref<64x128xf32, #tpu.memory_space<vmem>>) dst(%dma_wait3A_225 : memref<10240x128xf32, #tpu.memory_space<vmem_shared>>)
          tpu.yield
        }) : () -> ()
        %mul3A_107 = arith.constant 4 : i32
        %mul3A_108 = arith.muli %mul3A_107, %scan3A_91 : i32
        %add3A_109 = arith.constant 4 : i32
        %add3A_110 = arith.addi %mul3A_108, %add3A_109 : i32
        %add3A_111 = arith.constant 0 : i32
        %add3A_112 = arith.addi %add3A_110, %add3A_111 : i32
        %mul3A_113 = arith.constant 64 : i32
        %mul3A_114 = arith.muli %mul3A_113, %add3A_112 : i32
        %dma_start3A_115 = tpu.memref_slice %arg8[%mul3A_114] : memref<10240xi32, #tpu.memory_space<vmem>> -> memref<64xi32, #tpu.memory_space<vmem>>
        %dma_start3A_116 = arith.constant 0 : i32
        %dma_start3A_117 = arith.constant 0 : i32
        %dma_start3A_118 = tpu.memref_slice %arg2[%dma_start3A_116, %dma_start3A_117] : memref<10240x128xf32, #tpu.memory_space<hbm>> -> memref<10240x128xf32, #tpu.memory_space<hbm>>
        tpu.enqueue_indirect_dma source(%dma_start3A_118 : memref<10240x128xf32, #tpu.memory_space<hbm>>) target(%arg13 : memref<64x128xf32, #tpu.memory_space<vmem>>) offsets(%dma_start3A_115 : memref<64xi32, #tpu.memory_space<vmem>>) semaphore(%arg18 : memref<!tpu.dma_semaphore, #tpu.memory_space<semaphore_mem>>)
        %mul3A_119 = arith.constant 64 : i32
        %mul3A_120 = arith.muli %mul3A_119, %add3A_112 : i32
        %add3A_121 = arith.addi %mul3A_0, %mul3A_120 : i32
        %dma_start3A_122 = tpu.memref_slice %arg5[%add3A_121] : memref<163840xi32, #tpu.memory_space<hbm>> -> memref<64xi32, #tpu.memory_space<hbm>>
        %dma_start3A_123 = tpu.memref_slice %arg5[%add3A_121] : memref<163840xi32, #tpu.memory_space<hbm>> -> memref<64xi32, #tpu.memory_space<hbm>>
        tpu.enqueue_dma source(%dma_start3A_123 : memref<64xi32, #tpu.memory_space<hbm>>) target(%arg9 : memref<64xi32, #tpu.memory_space<vmem>>) target_semaphore(%arg22 : memref<!tpu.dma_semaphore, #tpu.memory_space<semaphore_mem>>)
        %mul3A_124 = arith.constant 4 : i32
        %mul3A_125 = arith.muli %mul3A_124, %scan3A_91 : i32
        %add3A_126 = arith.constant 1 : i32
        %add3A_127 = arith.addi %mul3A_125, %add3A_126 : i32
        %mul3A_128 = arith.constant 64 : i32
        %mul3A_129 = arith.muli %mul3A_128, %add3A_127 : i32
        %dma_wait3A_130 = tpu.memref_slice %arg8[%mul3A_129] : memref<10240xi32, #tpu.memory_space<vmem>> -> memref<64xi32, #tpu.memory_space<vmem>>
        %dma_wait3A_131 = arith.constant 0 : i32
        %dma_wait3A_132 = arith.constant 0 : i32
        %dma_wait3A_133 = tpu.memref_slice %arg2[%dma_wait3A_131, %dma_wait3A_132] : memref<10240x128xf32, #tpu.memory_space<hbm>> -> memref<10240x128xf32, #tpu.memory_space<hbm>>
        tpu.wait_indirect_dma semaphore(%arg19 : memref<!tpu.dma_semaphore, #tpu.memory_space<semaphore_mem>>) src(%dma_wait3A_133 : memref<10240x128xf32, #tpu.memory_space<hbm>>) dst(%arg14 : memref<64x128xf32, #tpu.memory_space<vmem>>)
        %mul3A_134 = arith.constant 64 : i32
        %mul3A_135 = arith.muli %mul3A_134, %add3A_127 : i32
        %add3A_136 = arith.addi %mul3A_0, %mul3A_135 : i32
        %dma_wait3A_137 = tpu.memref_slice %arg5[%add3A_136] : memref<163840xi32, #tpu.memory_space<hbm>> -> memref<64xi32, #tpu.memory_space<hbm>>
        %dma_wait3A_138 = tpu.memref_slice %arg5[%add3A_136] : memref<163840xi32, #tpu.memory_space<hbm>> -> memref<64xi32, #tpu.memory_space<hbm>>
        tpu.wait_dma2 semaphore(%arg23 : memref<!tpu.dma_semaphore, #tpu.memory_space<semaphore_mem>>) src(%dma_wait3A_138 : memref<64xi32, #tpu.memory_space<hbm>>) dst(%arg10 : memref<64xi32, #tpu.memory_space<vmem>>)
        "tpu.region"() ({
          %run_scoped3A = tpu.sem_alloc : memref<!tpu.dma_semaphore, #tpu.memory_space<semaphore_mem>>
          %dma_start3A_220 = arith.constant 0 : i32
          %dma_start3A_221 = arith.constant 0 : i32
          %dma_start3A_222 = tpu.memref_slice %arg17[%dma_start3A_220, %dma_start3A_221] : memref<10240x128xf32, #tpu.memory_space<vmem_shared>> -> memref<10240x128xf32, #tpu.memory_space<vmem_shared>>
          tpu.enqueue_indirect_dma source(%arg14 : memref<64x128xf32, #tpu.memory_space<vmem>>) target(%dma_start3A_222 : memref<10240x128xf32, #tpu.memory_space<vmem_shared>>) offsets(%arg10 : memref<64xi32, #tpu.memory_space<vmem>>) semaphore(%run_scoped3A : memref<!tpu.dma_semaphore, #tpu.memory_space<semaphore_mem>>) {add = true}
          %dma_wait3A_223 = arith.constant 0 : i32
          %dma_wait3A_224 = arith.constant 0 : i32
          %dma_wait3A_225 = tpu.memref_slice %arg17[%dma_wait3A_223, %dma_wait3A_224] : memref<10240x128xf32, #tpu.memory_space<vmem_shared>> -> memref<10240x128xf32, #tpu.memory_space<vmem_shared>>
          tpu.wait_indirect_dma semaphore(%run_scoped3A : memref<!tpu.dma_semaphore, #tpu.memory_space<semaphore_mem>>) src(%arg14 : memref<64x128xf32, #tpu.memory_space<vmem>>) dst(%dma_wait3A_225 : memref<10240x128xf32, #tpu.memory_space<vmem_shared>>)
          tpu.yield
        }) : () -> ()
        %mul3A_139 = arith.constant 4 : i32
        %mul3A_140 = arith.muli %mul3A_139, %scan3A_91 : i32
        %add3A_141 = arith.constant 4 : i32
        %add3A_142 = arith.addi %mul3A_140, %add3A_141 : i32
        %add3A_143 = arith.constant 1 : i32
        %add3A_144 = arith.addi %add3A_142, %add3A_143 : i32
        %mul3A_145 = arith.constant 64 : i32
        %mul3A_146 = arith.muli %mul3A_145, %add3A_144 : i32
        %dma_start3A_147 = tpu.memref_slice %arg8[%mul3A_146] : memref<10240xi32, #tpu.memory_space<vmem>> -> memref<64xi32, #tpu.memory_space<vmem>>
        %dma_start3A_148 = arith.constant 0 : i32
        %dma_start3A_149 = arith.constant 0 : i32
        %dma_start3A_150 = tpu.memref_slice %arg2[%dma_start3A_148, %dma_start3A_149] : memref<10240x128xf32, #tpu.memory_space<hbm>> -> memref<10240x128xf32, #tpu.memory_space<hbm>>
        tpu.enqueue_indirect_dma source(%dma_start3A_150 : memref<10240x128xf32, #tpu.memory_space<hbm>>) target(%arg14 : memref<64x128xf32, #tpu.memory_space<vmem>>) offsets(%dma_start3A_147 : memref<64xi32, #tpu.memory_space<vmem>>) semaphore(%arg19 : memref<!tpu.dma_semaphore, #tpu.memory_space<semaphore_mem>>)
        %mul3A_151 = arith.constant 64 : i32
        %mul3A_152 = arith.muli %mul3A_151, %add3A_144 : i32
        %add3A_153 = arith.addi %mul3A_0, %mul3A_152 : i32
        %dma_start3A_154 = tpu.memref_slice %arg5[%add3A_153] : memref<163840xi32, #tpu.memory_space<hbm>> -> memref<64xi32, #tpu.memory_space<hbm>>
        %dma_start3A_155 = tpu.memref_slice %arg5[%add3A_153] : memref<163840xi32, #tpu.memory_space<hbm>> -> memref<64xi32, #tpu.memory_space<hbm>>
        tpu.enqueue_dma source(%dma_start3A_155 : memref<64xi32, #tpu.memory_space<hbm>>) target(%arg10 : memref<64xi32, #tpu.memory_space<vmem>>) target_semaphore(%arg23 : memref<!tpu.dma_semaphore, #tpu.memory_space<semaphore_mem>>)
        %mul3A_156 = arith.constant 4 : i32
        %mul3A_157 = arith.muli %mul3A_156, %scan3A_91 : i32
        %add3A_158 = arith.constant 2 : i32
        %add3A_159 = arith.addi %mul3A_157, %add3A_158 : i32
        %mul3A_160 = arith.constant 64 : i32
        %mul3A_161 = arith.muli %mul3A_160, %add3A_159 : i32
        %dma_wait3A_162 = tpu.memref_slice %arg8[%mul3A_161] : memref<10240xi32, #tpu.memory_space<vmem>> -> memref<64xi32, #tpu.memory_space<vmem>>
        %dma_wait3A_163 = arith.constant 0 : i32
        %dma_wait3A_164 = arith.constant 0 : i32
        %dma_wait3A_165 = tpu.memref_slice %arg2[%dma_wait3A_163, %dma_wait3A_164] : memref<10240x128xf32, #tpu.memory_space<hbm>> -> memref<10240x128xf32, #tpu.memory_space<hbm>>
        tpu.wait_indirect_dma semaphore(%arg20 : memref<!tpu.dma_semaphore, #tpu.memory_space<semaphore_mem>>) src(%dma_wait3A_165 : memref<10240x128xf32, #tpu.memory_space<hbm>>) dst(%arg15 : memref<64x128xf32, #tpu.memory_space<vmem>>)
        %mul3A_166 = arith.constant 64 : i32
        %mul3A_167 = arith.muli %mul3A_166, %add3A_159 : i32
        %add3A_168 = arith.addi %mul3A_0, %mul3A_167 : i32
        %dma_wait3A_169 = tpu.memref_slice %arg5[%add3A_168] : memref<163840xi32, #tpu.memory_space<hbm>> -> memref<64xi32, #tpu.memory_space<hbm>>
        %dma_wait3A_170 = tpu.memref_slice %arg5[%add3A_168] : memref<163840xi32, #tpu.memory_space<hbm>> -> memref<64xi32, #tpu.memory_space<hbm>>
        tpu.wait_dma2 semaphore(%arg24 : memref<!tpu.dma_semaphore, #tpu.memory_space<semaphore_mem>>) src(%dma_wait3A_170 : memref<64xi32, #tpu.memory_space<hbm>>) dst(%arg11 : memref<64xi32, #tpu.memory_space<vmem>>)
        "tpu.region"() ({
          %run_scoped3A = tpu.sem_alloc : memref<!tpu.dma_semaphore, #tpu.memory_space<semaphore_mem>>
          %dma_start3A_220 = arith.constant 0 : i32
          %dma_start3A_221 = arith.constant 0 : i32
          %dma_start3A_222 = tpu.memref_slice %arg17[%dma_start3A_220, %dma_start3A_221] : memref<10240x128xf32, #tpu.memory_space<vmem_shared>> -> memref<10240x128xf32, #tpu.memory_space<vmem_shared>>
          tpu.enqueue_indirect_dma source(%arg15 : memref<64x128xf32, #tpu.memory_space<vmem>>) target(%dma_start3A_222 : memref<10240x128xf32, #tpu.memory_space<vmem_shared>>) offsets(%arg11 : memref<64xi32, #tpu.memory_space<vmem>>) semaphore(%run_scoped3A : memref<!tpu.dma_semaphore, #tpu.memory_space<semaphore_mem>>) {add = true}
          %dma_wait3A_223 = arith.constant 0 : i32
          %dma_wait3A_224 = arith.constant 0 : i32
          %dma_wait3A_225 = tpu.memref_slice %arg17[%dma_wait3A_223, %dma_wait3A_224] : memref<10240x128xf32, #tpu.memory_space<vmem_shared>> -> memref<10240x128xf32, #tpu.memory_space<vmem_shared>>
          tpu.wait_indirect_dma semaphore(%run_scoped3A : memref<!tpu.dma_semaphore, #tpu.memory_space<semaphore_mem>>) src(%arg15 : memref<64x128xf32, #tpu.memory_space<vmem>>) dst(%dma_wait3A_225 : memref<10240x128xf32, #tpu.memory_space<vmem_shared>>)
          tpu.yield
        }) : () -> ()
        %mul3A_171 = arith.constant 4 : i32
        %mul3A_172 = arith.muli %mul3A_171, %scan3A_91 : i32
        %add3A_173 = arith.constant 4 : i32
        %add3A_174 = arith.addi %mul3A_172, %add3A_173 : i32
        %add3A_175 = arith.constant 2 : i32
        %add3A_176 = arith.addi %add3A_174, %add3A_175 : i32
        %mul3A_177 = arith.constant 64 : i32
        %mul3A_178 = arith.muli %mul3A_177, %add3A_176 : i32
        %dma_start3A_179 = tpu.memref_slice %arg8[%mul3A_178] : memref<10240xi32, #tpu.memory_space<vmem>> -> memref<64xi32, #tpu.memory_space<vmem>>
        %dma_start3A_180 = arith.constant 0 : i32
        %dma_start3A_181 = arith.constant 0 : i32
        %dma_start3A_182 = tpu.memref_slice %arg2[%dma_start3A_180, %dma_start3A_181] : memref<10240x128xf32, #tpu.memory_space<hbm>> -> memref<10240x128xf32, #tpu.memory_space<hbm>>
        tpu.enqueue_indirect_dma source(%dma_start3A_182 : memref<10240x128xf32, #tpu.memory_space<hbm>>) target(%arg15 : memref<64x128xf32, #tpu.memory_space<vmem>>) offsets(%dma_start3A_179 : memref<64xi32, #tpu.memory_space<vmem>>) semaphore(%arg20 : memref<!tpu.dma_semaphore, #tpu.memory_space<semaphore_mem>>)
        %mul3A_183 = arith.constant 64 : i32
        %mul3A_184 = arith.muli %mul3A_183, %add3A_176 : i32
        %add3A_185 = arith.addi %mul3A_0, %mul3A_184 : i32
        %dma_start3A_186 = tpu.memref_slice %arg5[%add3A_185] : memref<163840xi32, #tpu.memory_space<hbm>> -> memref<64xi32, #tpu.memory_space<hbm>>
        %dma_start3A_187 = tpu.memref_slice %arg5[%add3A_185] : memref<163840xi32, #tpu.memory_space<hbm>> -> memref<64xi32, #tpu.memory_space<hbm>>
        tpu.enqueue_dma source(%dma_start3A_187 : memref<64xi32, #tpu.memory_space<hbm>>) target(%arg11 : memref<64xi32, #tpu.memory_space<vmem>>) target_semaphore(%arg24 : memref<!tpu.dma_semaphore, #tpu.memory_space<semaphore_mem>>)
        %mul3A_188 = arith.constant 4 : i32
        %mul3A_189 = arith.muli %mul3A_188, %scan3A_91 : i32
        %add3A_190 = arith.constant 3 : i32
        %add3A_191 = arith.addi %mul3A_189, %add3A_190 : i32
        %mul3A_192 = arith.constant 64 : i32
        %mul3A_193 = arith.muli %mul3A_192, %add3A_191 : i32
        %dma_wait3A_194 = tpu.memref_slice %arg8[%mul3A_193] : memref<10240xi32, #tpu.memory_space<vmem>> -> memref<64xi32, #tpu.memory_space<vmem>>
        %dma_wait3A_195 = arith.constant 0 : i32
        %dma_wait3A_196 = arith.constant 0 : i32
        %dma_wait3A_197 = tpu.memref_slice %arg2[%dma_wait3A_195, %dma_wait3A_196] : memref<10240x128xf32, #tpu.memory_space<hbm>> -> memref<10240x128xf32, #tpu.memory_space<hbm>>
        tpu.wait_indirect_dma semaphore(%arg21 : memref<!tpu.dma_semaphore, #tpu.memory_space<semaphore_mem>>) src(%dma_wait3A_197 : memref<10240x128xf32, #tpu.memory_space<hbm>>) dst(%arg16 : memref<64x128xf32, #tpu.memory_space<vmem>>)
        %mul3A_198 = arith.constant 64 : i32
        %mul3A_199 = arith.muli %mul3A_198, %add3A_191 : i32
        %add3A_200 = arith.addi %mul3A_0, %mul3A_199 : i32
        %dma_wait3A_201 = tpu.memref_slice %arg5[%add3A_200] : memref<163840xi32, #tpu.memory_space<hbm>> -> memref<64xi32, #tpu.memory_space<hbm>>
        %dma_wait3A_202 = tpu.memref_slice %arg5[%add3A_200] : memref<163840xi32, #tpu.memory_space<hbm>> -> memref<64xi32, #tpu.memory_space<hbm>>
        tpu.wait_dma2 semaphore(%arg25 : memref<!tpu.dma_semaphore, #tpu.memory_space<semaphore_mem>>) src(%dma_wait3A_202 : memref<64xi32, #tpu.memory_space<hbm>>) dst(%arg12 : memref<64xi32, #tpu.memory_space<vmem>>)
        "tpu.region"() ({
          %run_scoped3A = tpu.sem_alloc : memref<!tpu.dma_semaphore, #tpu.memory_space<semaphore_mem>>
          %dma_start3A_220 = arith.constant 0 : i32
          %dma_start3A_221 = arith.constant 0 : i32
          %dma_start3A_222 = tpu.memref_slice %arg17[%dma_start3A_220, %dma_start3A_221] : memref<10240x128xf32, #tpu.memory_space<vmem_shared>> -> memref<10240x128xf32, #tpu.memory_space<vmem_shared>>
          tpu.enqueue_indirect_dma source(%arg16 : memref<64x128xf32, #tpu.memory_space<vmem>>) target(%dma_start3A_222 : memref<10240x128xf32, #tpu.memory_space<vmem_shared>>) offsets(%arg12 : memref<64xi32, #tpu.memory_space<vmem>>) semaphore(%run_scoped3A : memref<!tpu.dma_semaphore, #tpu.memory_space<semaphore_mem>>) {add = true}
          %dma_wait3A_223 = arith.constant 0 : i32
          %dma_wait3A_224 = arith.constant 0 : i32
          %dma_wait3A_225 = tpu.memref_slice %arg17[%dma_wait3A_223, %dma_wait3A_224] : memref<10240x128xf32, #tpu.memory_space<vmem_shared>> -> memref<10240x128xf32, #tpu.memory_space<vmem_shared>>
          tpu.wait_indirect_dma semaphore(%run_scoped3A : memref<!tpu.dma_semaphore, #tpu.memory_space<semaphore_mem>>) src(%arg16 : memref<64x128xf32, #tpu.memory_space<vmem>>) dst(%dma_wait3A_225 : memref<10240x128xf32, #tpu.memory_space<vmem_shared>>)
          tpu.yield
        }) : () -> ()
        %mul3A_203 = arith.constant 4 : i32
        %mul3A_204 = arith.muli %mul3A_203, %scan3A_91 : i32
        %add3A_205 = arith.constant 4 : i32
        %add3A_206 = arith.addi %mul3A_204, %add3A_205 : i32
        %add3A_207 = arith.constant 3 : i32
        %add3A_208 = arith.addi %add3A_206, %add3A_207 : i32
        %mul3A_209 = arith.constant 64 : i32
        %mul3A_210 = arith.muli %mul3A_209, %add3A_208 : i32
        %dma_start3A_211 = tpu.memref_slice %arg8[%mul3A_210] : memref<10240xi32, #tpu.memory_space<vmem>> -> memref<64xi32, #tpu.memory_space<vmem>>
        %dma_start3A_212 = arith.constant 0 : i32
        %dma_start3A_213 = arith.constant 0 : i32
        %dma_start3A_214 = tpu.memref_slice %arg2[%dma_start3A_212, %dma_start3A_213] : memref<10240x128xf32, #tpu.memory_space<hbm>> -> memref<10240x128xf32, #tpu.memory_space<hbm>>
        tpu.enqueue_indirect_dma source(%dma_start3A_214 : memref<10240x128xf32, #tpu.memory_space<hbm>>) target(%arg16 : memref<64x128xf32, #tpu.memory_space<vmem>>) offsets(%dma_start3A_211 : memref<64xi32, #tpu.memory_space<vmem>>) semaphore(%arg21 : memref<!tpu.dma_semaphore, #tpu.memory_space<semaphore_mem>>)
        %mul3A_215 = arith.constant 64 : i32
        %mul3A_216 = arith.muli %mul3A_215, %add3A_208 : i32
        %add3A_217 = arith.addi %mul3A_0, %mul3A_216 : i32
        %dma_start3A_218 = tpu.memref_slice %arg5[%add3A_217] : memref<163840xi32, #tpu.memory_space<hbm>> -> memref<64xi32, #tpu.memory_space<hbm>>
        %dma_start3A_219 = tpu.memref_slice %arg5[%add3A_217] : memref<163840xi32, #tpu.memory_space<hbm>> -> memref<64xi32, #tpu.memory_space<hbm>>
        tpu.enqueue_dma source(%dma_start3A_219 : memref<64xi32, #tpu.memory_space<hbm>>) target(%arg12 : memref<64xi32, #tpu.memory_space<vmem>>) target_semaphore(%arg25 : memref<!tpu.dma_semaphore, #tpu.memory_space<semaphore_mem>>)
      }
      %scan3A_50 = arith.constant 39 : i32
      %dma_wait3A = arith.constant 9984 : i32
      %dma_wait3A_51 = tpu.memref_slice %arg8[%dma_wait3A] : memref<10240xi32, #tpu.memory_space<vmem>> -> memref<64xi32, #tpu.memory_space<vmem>>
      %dma_wait3A_52 = arith.constant 0 : i32
      %dma_wait3A_53 = arith.constant 0 : i32
      %dma_wait3A_54 = tpu.memref_slice %arg2[%dma_wait3A_52, %dma_wait3A_53] : memref<10240x128xf32, #tpu.memory_space<hbm>> -> memref<10240x128xf32, #tpu.memory_space<hbm>>
      tpu.wait_indirect_dma semaphore(%arg18 : memref<!tpu.dma_semaphore, #tpu.memory_space<semaphore_mem>>) src(%dma_wait3A_54 : memref<10240x128xf32, #tpu.memory_space<hbm>>) dst(%arg13 : memref<64x128xf32, #tpu.memory_space<vmem>>)
      %add3A_55 = arith.constant 9984 : i32
      %add3A_56 = arith.addi %mul3A_0, %add3A_55 : i32
      %dma_wait3A_57 = tpu.memref_slice %arg5[%add3A_56] : memref<163840xi32, #tpu.memory_space<hbm>> -> memref<64xi32, #tpu.memory_space<hbm>>
      %dma_wait3A_58 = tpu.memref_slice %arg5[%add3A_56] : memref<163840xi32, #tpu.memory_space<hbm>> -> memref<64xi32, #tpu.memory_space<hbm>>
      tpu.wait_dma2 semaphore(%arg22 : memref<!tpu.dma_semaphore, #tpu.memory_space<semaphore_mem>>) src(%dma_wait3A_58 : memref<64xi32, #tpu.memory_space<hbm>>) dst(%arg9 : memref<64xi32, #tpu.memory_space<vmem>>)
      "tpu.region"() ({
        %run_scoped3A = tpu.sem_alloc : memref<!tpu.dma_semaphore, #tpu.memory_space<semaphore_mem>>
        %dma_start3A_91 = arith.constant 0 : i32
        %dma_start3A_92 = arith.constant 0 : i32
        %dma_start3A_93 = tpu.memref_slice %arg17[%dma_start3A_91, %dma_start3A_92] : memref<10240x128xf32, #tpu.memory_space<vmem_shared>> -> memref<10240x128xf32, #tpu.memory_space<vmem_shared>>
        tpu.enqueue_indirect_dma source(%arg13 : memref<64x128xf32, #tpu.memory_space<vmem>>) target(%dma_start3A_93 : memref<10240x128xf32, #tpu.memory_space<vmem_shared>>) offsets(%arg9 : memref<64xi32, #tpu.memory_space<vmem>>) semaphore(%run_scoped3A : memref<!tpu.dma_semaphore, #tpu.memory_space<semaphore_mem>>) {add = true}
        %dma_wait3A_94 = arith.constant 0 : i32
        %dma_wait3A_95 = arith.constant 0 : i32
        %dma_wait3A_96 = tpu.memref_slice %arg17[%dma_wait3A_94, %dma_wait3A_95] : memref<10240x128xf32, #tpu.memory_space<vmem_shared>> -> memref<10240x128xf32, #tpu.memory_space<vmem_shared>>
        tpu.wait_indirect_dma semaphore(%run_scoped3A : memref<!tpu.dma_semaphore, #tpu.memory_space<semaphore_mem>>) src(%arg13 : memref<64x128xf32, #tpu.memory_space<vmem>>) dst(%dma_wait3A_96 : memref<10240x128xf32, #tpu.memory_space<vmem_shared>>)
        tpu.yield
      }) : () -> ()
      %dma_wait3A_59 = arith.constant 10048 : i32
      %dma_wait3A_60 = tpu.memref_slice %arg8[%dma_wait3A_59] : memref<10240xi32, #tpu.memory_space<vmem>> -> memref<64xi32, #tpu.memory_space<vmem>>
      %dma_wait3A_61 = arith.constant 0 : i32
      %dma_wait3A_62 = arith.constant 0 : i32
      %dma_wait3A_63 = tpu.memref_slice %arg2[%dma_wait3A_61, %dma_wait3A_62] : memref<10240x128xf32, #tpu.memory_space<hbm>> -> memref<10240x128xf32, #tpu.memory_space<hbm>>
      tpu.wait_indirect_dma semaphore(%arg19 : memref<!tpu.dma_semaphore, #tpu.memory_space<semaphore_mem>>) src(%dma_wait3A_63 : memref<10240x128xf32, #tpu.memory_space<hbm>>) dst(%arg14 : memref<64x128xf32, #tpu.memory_space<vmem>>)
      %add3A_64 = arith.constant 10048 : i32
      %add3A_65 = arith.addi %mul3A_0, %add3A_64 : i32
      %dma_wait3A_66 = tpu.memref_slice %arg5[%add3A_65] : memref<163840xi32, #tpu.memory_space<hbm>> -> memref<64xi32, #tpu.memory_space<hbm>>
      %dma_wait3A_67 = tpu.memref_slice %arg5[%add3A_65] : memref<163840xi32, #tpu.memory_space<hbm>> -> memref<64xi32, #tpu.memory_space<hbm>>
      tpu.wait_dma2 semaphore(%arg23 : memref<!tpu.dma_semaphore, #tpu.memory_space<semaphore_mem>>) src(%dma_wait3A_67 : memref<64xi32, #tpu.memory_space<hbm>>) dst(%arg10 : memref<64xi32, #tpu.memory_space<vmem>>)
      "tpu.region"() ({
        %run_scoped3A = tpu.sem_alloc : memref<!tpu.dma_semaphore, #tpu.memory_space<semaphore_mem>>
        %dma_start3A_91 = arith.constant 0 : i32
        %dma_start3A_92 = arith.constant 0 : i32
        %dma_start3A_93 = tpu.memref_slice %arg17[%dma_start3A_91, %dma_start3A_92] : memref<10240x128xf32, #tpu.memory_space<vmem_shared>> -> memref<10240x128xf32, #tpu.memory_space<vmem_shared>>
        tpu.enqueue_indirect_dma source(%arg14 : memref<64x128xf32, #tpu.memory_space<vmem>>) target(%dma_start3A_93 : memref<10240x128xf32, #tpu.memory_space<vmem_shared>>) offsets(%arg10 : memref<64xi32, #tpu.memory_space<vmem>>) semaphore(%run_scoped3A : memref<!tpu.dma_semaphore, #tpu.memory_space<semaphore_mem>>) {add = true}
        %dma_wait3A_94 = arith.constant 0 : i32
        %dma_wait3A_95 = arith.constant 0 : i32
        %dma_wait3A_96 = tpu.memref_slice %arg17[%dma_wait3A_94, %dma_wait3A_95] : memref<10240x128xf32, #tpu.memory_space<vmem_shared>> -> memref<10240x128xf32, #tpu.memory_space<vmem_shared>>
        tpu.wait_indirect_dma semaphore(%run_scoped3A : memref<!tpu.dma_semaphore, #tpu.memory_space<semaphore_mem>>) src(%arg14 : memref<64x128xf32, #tpu.memory_space<vmem>>) dst(%dma_wait3A_96 : memref<10240x128xf32, #tpu.memory_space<vmem_shared>>)
        tpu.yield
      }) : () -> ()
      %dma_wait3A_68 = arith.constant 10112 : i32
      %dma_wait3A_69 = tpu.memref_slice %arg8[%dma_wait3A_68] : memref<10240xi32, #tpu.memory_space<vmem>> -> memref<64xi32, #tpu.memory_space<vmem>>
      %dma_wait3A_70 = arith.constant 0 : i32
      %dma_wait3A_71 = arith.constant 0 : i32
      %dma_wait3A_72 = tpu.memref_slice %arg2[%dma_wait3A_70, %dma_wait3A_71] : memref<10240x128xf32, #tpu.memory_space<hbm>> -> memref<10240x128xf32, #tpu.memory_space<hbm>>
      tpu.wait_indirect_dma semaphore(%arg20 : memref<!tpu.dma_semaphore, #tpu.memory_space<semaphore_mem>>) src(%dma_wait3A_72 : memref<10240x128xf32, #tpu.memory_space<hbm>>) dst(%arg15 : memref<64x128xf32, #tpu.memory_space<vmem>>)
      %add3A_73 = arith.constant 10112 : i32
      %add3A_74 = arith.addi %mul3A_0, %add3A_73 : i32
      %dma_wait3A_75 = tpu.memref_slice %arg5[%add3A_74] : memref<163840xi32, #tpu.memory_space<hbm>> -> memref<64xi32, #tpu.memory_space<hbm>>
      %dma_wait3A_76 = tpu.memref_slice %arg5[%add3A_74] : memref<163840xi32, #tpu.memory_space<hbm>> -> memref<64xi32, #tpu.memory_space<hbm>>
      tpu.wait_dma2 semaphore(%arg24 : memref<!tpu.dma_semaphore, #tpu.memory_space<semaphore_mem>>) src(%dma_wait3A_76 : memref<64xi32, #tpu.memory_space<hbm>>) dst(%arg11 : memref<64xi32, #tpu.memory_space<vmem>>)
      "tpu.region"() ({
        %run_scoped3A = tpu.sem_alloc : memref<!tpu.dma_semaphore, #tpu.memory_space<semaphore_mem>>
        %dma_start3A_91 = arith.constant 0 : i32
        %dma_start3A_92 = arith.constant 0 : i32
        %dma_start3A_93 = tpu.memref_slice %arg17[%dma_start3A_91, %dma_start3A_92] : memref<10240x128xf32, #tpu.memory_space<vmem_shared>> -> memref<10240x128xf32, #tpu.memory_space<vmem_shared>>
        tpu.enqueue_indirect_dma source(%arg15 : memref<64x128xf32, #tpu.memory_space<vmem>>) target(%dma_start3A_93 : memref<10240x128xf32, #tpu.memory_space<vmem_shared>>) offsets(%arg11 : memref<64xi32, #tpu.memory_space<vmem>>) semaphore(%run_scoped3A : memref<!tpu.dma_semaphore, #tpu.memory_space<semaphore_mem>>) {add = true}
        %dma_wait3A_94 = arith.constant 0 : i32
        %dma_wait3A_95 = arith.constant 0 : i32
        %dma_wait3A_96 = tpu.memref_slice %arg17[%dma_wait3A_94, %dma_wait3A_95] : memref<10240x128xf32, #tpu.memory_space<vmem_shared>> -> memref<10240x128xf32, #tpu.memory_space<vmem_shared>>
        tpu.wait_indirect_dma semaphore(%run_scoped3A : memref<!tpu.dma_semaphore, #tpu.memory_space<semaphore_mem>>) src(%arg15 : memref<64x128xf32, #tpu.memory_space<vmem>>) dst(%dma_wait3A_96 : memref<10240x128xf32, #tpu.memory_space<vmem_shared>>)
        tpu.yield
      }) : () -> ()
      %dma_wait3A_77 = arith.constant 10176 : i32
      %dma_wait3A_78 = tpu.memref_slice %arg8[%dma_wait3A_77] : memref<10240xi32, #tpu.memory_space<vmem>> -> memref<64xi32, #tpu.memory_space<vmem>>
      %dma_wait3A_79 = arith.constant 0 : i32
      %dma_wait3A_80 = arith.constant 0 : i32
      %dma_wait3A_81 = tpu.memref_slice %arg2[%dma_wait3A_79, %dma_wait3A_80] : memref<10240x128xf32, #tpu.memory_space<hbm>> -> memref<10240x128xf32, #tpu.memory_space<hbm>>
      tpu.wait_indirect_dma semaphore(%arg21 : memref<!tpu.dma_semaphore, #tpu.memory_space<semaphore_mem>>) src(%dma_wait3A_81 : memref<10240x128xf32, #tpu.memory_space<hbm>>) dst(%arg16 : memref<64x128xf32, #tpu.memory_space<vmem>>)
      %add3A_82 = arith.constant 10176 : i32
      %add3A_83 = arith.addi %mul3A_0, %add3A_82 : i32
      %dma_wait3A_84 = tpu.memref_slice %arg5[%add3A_83] : memref<163840xi32, #tpu.memory_space<hbm>> -> memref<64xi32, #tpu.memory_space<hbm>>
      %dma_wait3A_85 = tpu.memref_slice %arg5[%add3A_83] : memref<163840xi32, #tpu.memory_space<hbm>> -> memref<64xi32, #tpu.memory_space<hbm>>
      tpu.wait_dma2 semaphore(%arg25 : memref<!tpu.dma_semaphore, #tpu.memory_space<semaphore_mem>>) src(%dma_wait3A_85 : memref<64xi32, #tpu.memory_space<hbm>>) dst(%arg12 : memref<64xi32, #tpu.memory_space<vmem>>)
      "tpu.region"() ({
        %run_scoped3A = tpu.sem_alloc : memref<!tpu.dma_semaphore, #tpu.memory_space<semaphore_mem>>
        %dma_start3A_91 = arith.constant 0 : i32
        %dma_start3A_92 = arith.constant 0 : i32
        %dma_start3A_93 = tpu.memref_slice %arg17[%dma_start3A_91, %dma_start3A_92] : memref<10240x128xf32, #tpu.memory_space<vmem_shared>> -> memref<10240x128xf32, #tpu.memory_space<vmem_shared>>
        tpu.enqueue_indirect_dma source(%arg16 : memref<64x128xf32, #tpu.memory_space<vmem>>) target(%dma_start3A_93 : memref<10240x128xf32, #tpu.memory_space<vmem_shared>>) offsets(%arg12 : memref<64xi32, #tpu.memory_space<vmem>>) semaphore(%run_scoped3A : memref<!tpu.dma_semaphore, #tpu.memory_space<semaphore_mem>>) {add = true}
        %dma_wait3A_94 = arith.constant 0 : i32
        %dma_wait3A_95 = arith.constant 0 : i32
        %dma_wait3A_96 = tpu.memref_slice %arg17[%dma_wait3A_94, %dma_wait3A_95] : memref<10240x128xf32, #tpu.memory_space<vmem_shared>> -> memref<10240x128xf32, #tpu.memory_space<vmem_shared>>
        tpu.wait_indirect_dma semaphore(%run_scoped3A : memref<!tpu.dma_semaphore, #tpu.memory_space<semaphore_mem>>) src(%arg16 : memref<64x128xf32, #tpu.memory_space<vmem>>) dst(%dma_wait3A_96 : memref<10240x128xf32, #tpu.memory_space<vmem_shared>>)
        tpu.yield
      }) : () -> ()
      %barrier3A_86 = arith.constant 0 : index
      tpu.barrier barrier_id(%barrier3A_86)
      %mul3A_87 = arith.constant 640 : i32
      %mul3A_88 = arith.muli %arg1, %mul3A_87 : i32
      %mul3A_89 = arith.constant 640 : i32
      %mul3A_90 = arith.muli %arg1, %mul3A_89 : i32
      "tpu.region"() ({
        %run_scoped3A = tpu.sem_alloc : memref<!tpu.dma_semaphore, #tpu.memory_space<semaphore_mem>>
        %dma_start3A_91 = arith.constant 0 : i32
        %dma_start3A_92 = tpu.memref_slice %arg6[%mul3A_90, %dma_start3A_91] : memref<10240x128xf32, #tpu.memory_space<hbm>> -> memref<640x128xf32, #tpu.memory_space<hbm>>
        %dma_start3A_93 = arith.constant 0 : i32
        %dma_start3A_94 = tpu.memref_slice %arg17[%mul3A_88, %dma_start3A_93] : memref<10240x128xf32, #tpu.memory_space<vmem_shared>> -> memref<640x128xf32, #tpu.memory_space<vmem_shared>>
        tpu.enqueue_dma source(%dma_start3A_94 : memref<640x128xf32, #tpu.memory_space<vmem_shared>>) target(%dma_start3A_92 : memref<640x128xf32, #tpu.memory_space<hbm>>) target_semaphore(%run_scoped3A : memref<!tpu.dma_semaphore, #tpu.memory_space<semaphore_mem>>)
        %dma_wait3A_95 = arith.constant 0 : i32
        %dma_wait3A_96 = tpu.memref_slice %arg6[%mul3A_90, %dma_wait3A_95] : memref<10240x128xf32, #tpu.memory_space<hbm>> -> memref<640x128xf32, #tpu.memory_space<hbm>>
        %dma_wait3A_97 = arith.constant 0 : i32
        %dma_wait3A_98 = tpu.memref_slice %arg17[%mul3A_88, %dma_wait3A_97] : memref<10240x128xf32, #tpu.memory_space<vmem_shared>> -> memref<640x128xf32, #tpu.memory_space<vmem_shared>>
        tpu.wait_dma2 semaphore(%run_scoped3A : memref<!tpu.dma_semaphore, #tpu.memory_space<semaphore_mem>>) src(%dma_wait3A_98 : memref<640x128xf32, #tpu.memory_space<vmem_shared>>) dst(%dma_wait3A_96 : memref<640x128xf32, #tpu.memory_space<hbm>>)
        tpu.yield
      }) : () -> ()
    } else {
    }
    %eq3A_3 = arith.constant 1 : i32
    %eq3A_4 = arith.cmpi eq, %arg0, %eq3A_3 : i32
    %convert_element_type3A_5 = arith.extui %eq3A_4 : i1 to i32
    %cond3A_6 = arith.constant 0 : i32
    %cond3A_7 = arith.cmpi ne, %convert_element_type3A_5, %cond3A_6 : i32
    scf.if %cond3A_7 {
      %mul3A_8 = arith.constant 640 : i32
      %mul3A_9 = arith.muli %arg1, %mul3A_8 : i32
      %mul3A_10 = arith.constant 640 : i32
      %mul3A_11 = arith.muli %arg1, %mul3A_10 : i32
      "tpu.region"() ({
        %run_scoped3A = tpu.sem_alloc : memref<!tpu.dma_semaphore, #tpu.memory_space<semaphore_mem>>
        %dma_start3A_91 = arith.constant 0 : i32
        %dma_start3A_92 = tpu.memref_slice %arg17[%mul3A_11, %dma_start3A_91] : memref<10240x128xf32, #tpu.memory_space<vmem_shared>> -> memref<640x128xf32, #tpu.memory_space<vmem_shared>>
        %dma_start3A_93 = arith.constant 0 : i32
        %dma_start3A_94 = tpu.memref_slice %arg3[%mul3A_9, %dma_start3A_93] : memref<10240x128xf32, #tpu.memory_space<hbm>> -> memref<640x128xf32, #tpu.memory_space<hbm>>
        tpu.enqueue_dma source(%dma_start3A_94 : memref<640x128xf32, #tpu.memory_space<hbm>>) target(%dma_start3A_92 : memref<640x128xf32, #tpu.memory_space<vmem_shared>>) target_semaphore(%run_scoped3A : memref<!tpu.dma_semaphore, #tpu.memory_space<semaphore_mem>>)
        %dma_wait3A_95 = arith.constant 0 : i32
        %dma_wait3A_96 = tpu.memref_slice %arg17[%mul3A_11, %dma_wait3A_95] : memref<10240x128xf32, #tpu.memory_space<vmem_shared>> -> memref<640x128xf32, #tpu.memory_space<vmem_shared>>
        %dma_wait3A_97 = arith.constant 0 : i32
        %dma_wait3A_98 = tpu.memref_slice %arg3[%mul3A_9, %dma_wait3A_97] : memref<10240x128xf32, #tpu.memory_space<hbm>> -> memref<640x128xf32, #tpu.memory_space<hbm>>
        tpu.wait_dma2 semaphore(%run_scoped3A : memref<!tpu.dma_semaphore, #tpu.memory_space<semaphore_mem>>) src(%dma_wait3A_98 : memref<640x128xf32, #tpu.memory_space<hbm>>) dst(%dma_wait3A_96 : memref<640x128xf32, #tpu.memory_space<vmem_shared>>)
        tpu.yield
      }) : () -> ()
      "tpu.region"() ({
        %run_scoped3A = tpu.sem_alloc : memref<!tpu.dma_semaphore, #tpu.memory_space<semaphore_mem>>
        %dma_start3A_91 = tpu.memref_slice %arg4[%mul3A_0] : memref<163840xi32, #tpu.memory_space<hbm>> -> memref<10240xi32, #tpu.memory_space<hbm>>
        %dma_start3A_92 = tpu.memref_slice %arg4[%mul3A_0] : memref<163840xi32, #tpu.memory_space<hbm>> -> memref<10240xi32, #tpu.memory_space<hbm>>
        tpu.enqueue_dma source(%dma_start3A_92 : memref<10240xi32, #tpu.memory_space<hbm>>) target(%arg8 : memref<10240xi32, #tpu.memory_space<vmem>>) target_semaphore(%run_scoped3A : memref<!tpu.dma_semaphore, #tpu.memory_space<semaphore_mem>>)
        %dma_wait3A_93 = tpu.memref_slice %arg4[%mul3A_0] : memref<163840xi32, #tpu.memory_space<hbm>> -> memref<10240xi32, #tpu.memory_space<hbm>>
        %dma_wait3A_94 = tpu.memref_slice %arg4[%mul3A_0] : memref<163840xi32, #tpu.memory_space<hbm>> -> memref<10240xi32, #tpu.memory_space<hbm>>
        tpu.wait_dma2 semaphore(%run_scoped3A : memref<!tpu.dma_semaphore, #tpu.memory_space<semaphore_mem>>) src(%dma_wait3A_94 : memref<10240xi32, #tpu.memory_space<hbm>>) dst(%arg8 : memref<10240xi32, #tpu.memory_space<vmem>>)
        tpu.yield
      }) : () -> ()
      %barrier3A = arith.constant 0 : index
      tpu.barrier barrier_id(%barrier3A)
      %dma_start3A = arith.constant 0 : i32
      %dma_start3A_12 = tpu.memref_slice %arg8[%dma_start3A] : memref<10240xi32, #tpu.memory_space<vmem>> -> memref<64xi32, #tpu.memory_space<vmem>>
      %dma_start3A_13 = arith.constant 0 : i32
      %dma_start3A_14 = arith.constant 0 : i32
      %dma_start3A_15 = tpu.memref_slice %arg3[%dma_start3A_13, %dma_start3A_14] : memref<10240x128xf32, #tpu.memory_space<hbm>> -> memref<10240x128xf32, #tpu.memory_space<hbm>>
      tpu.enqueue_indirect_dma source(%dma_start3A_15 : memref<10240x128xf32, #tpu.memory_space<hbm>>) target(%arg13 : memref<64x128xf32, #tpu.memory_space<vmem>>) offsets(%dma_start3A_12 : memref<64xi32, #tpu.memory_space<vmem>>) semaphore(%arg18 : memref<!tpu.dma_semaphore, #tpu.memory_space<semaphore_mem>>)
      %add3A = arith.constant 0 : i32
      %add3A_16 = arith.addi %mul3A_0, %add3A : i32
      %dma_start3A_17 = tpu.memref_slice %arg5[%add3A_16] : memref<163840xi32, #tpu.memory_space<hbm>> -> memref<64xi32, #tpu.memory_space<hbm>>
      %dma_start3A_18 = tpu.memref_slice %arg5[%add3A_16] : memref<163840xi32, #tpu.memory_space<hbm>> -> memref<64xi32, #tpu.memory_space<hbm>>
      tpu.enqueue_dma source(%dma_start3A_18 : memref<64xi32, #tpu.memory_space<hbm>>) target(%arg9 : memref<64xi32, #tpu.memory_space<vmem>>) target_semaphore(%arg22 : memref<!tpu.dma_semaphore, #tpu.memory_space<semaphore_mem>>)
      %dma_start3A_19 = arith.constant 64 : i32
      %dma_start3A_20 = tpu.memref_slice %arg8[%dma_start3A_19] : memref<10240xi32, #tpu.memory_space<vmem>> -> memref<64xi32, #tpu.memory_space<vmem>>
      %dma_start3A_21 = arith.constant 0 : i32
      %dma_start3A_22 = arith.constant 0 : i32
      %dma_start3A_23 = tpu.memref_slice %arg3[%dma_start3A_21, %dma_start3A_22] : memref<10240x128xf32, #tpu.memory_space<hbm>> -> memref<10240x128xf32, #tpu.memory_space<hbm>>
      tpu.enqueue_indirect_dma source(%dma_start3A_23 : memref<10240x128xf32, #tpu.memory_space<hbm>>) target(%arg14 : memref<64x128xf32, #tpu.memory_space<vmem>>) offsets(%dma_start3A_20 : memref<64xi32, #tpu.memory_space<vmem>>) semaphore(%arg19 : memref<!tpu.dma_semaphore, #tpu.memory_space<semaphore_mem>>)
      %add3A_24 = arith.constant 64 : i32
      %add3A_25 = arith.addi %mul3A_0, %add3A_24 : i32
      %dma_start3A_26 = tpu.memref_slice %arg5[%add3A_25] : memref<163840xi32, #tpu.memory_space<hbm>> -> memref<64xi32, #tpu.memory_space<hbm>>
      %dma_start3A_27 = tpu.memref_slice %arg5[%add3A_25] : memref<163840xi32, #tpu.memory_space<hbm>> -> memref<64xi32, #tpu.memory_space<hbm>>
      tpu.enqueue_dma source(%dma_start3A_27 : memref<64xi32, #tpu.memory_space<hbm>>) target(%arg10 : memref<64xi32, #tpu.memory_space<vmem>>) target_semaphore(%arg23 : memref<!tpu.dma_semaphore, #tpu.memory_space<semaphore_mem>>)
      %dma_start3A_28 = arith.constant 128 : i32
      %dma_start3A_29 = tpu.memref_slice %arg8[%dma_start3A_28] : memref<10240xi32, #tpu.memory_space<vmem>> -> memref<64xi32, #tpu.memory_space<vmem>>
      %dma_start3A_30 = arith.constant 0 : i32
      %dma_start3A_31 = arith.constant 0 : i32
      %dma_start3A_32 = tpu.memref_slice %arg3[%dma_start3A_30, %dma_start3A_31] : memref<10240x128xf32, #tpu.memory_space<hbm>> -> memref<10240x128xf32, #tpu.memory_space<hbm>>
      tpu.enqueue_indirect_dma source(%dma_start3A_32 : memref<10240x128xf32, #tpu.memory_space<hbm>>) target(%arg15 : memref<64x128xf32, #tpu.memory_space<vmem>>) offsets(%dma_start3A_29 : memref<64xi32, #tpu.memory_space<vmem>>) semaphore(%arg20 : memref<!tpu.dma_semaphore, #tpu.memory_space<semaphore_mem>>)
      %add3A_33 = arith.constant 128 : i32
      %add3A_34 = arith.addi %mul3A_0, %add3A_33 : i32
      %dma_start3A_35 = tpu.memref_slice %arg5[%add3A_34] : memref<163840xi32, #tpu.memory_space<hbm>> -> memref<64xi32, #tpu.memory_space<hbm>>
      %dma_start3A_36 = tpu.memref_slice %arg5[%add3A_34] : memref<163840xi32, #tpu.memory_space<hbm>> -> memref<64xi32, #tpu.memory_space<hbm>>
      tpu.enqueue_dma source(%dma_start3A_36 : memref<64xi32, #tpu.memory_space<hbm>>) target(%arg11 : memref<64xi32, #tpu.memory_space<vmem>>) target_semaphore(%arg24 : memref<!tpu.dma_semaphore, #tpu.memory_space<semaphore_mem>>)
      %dma_start3A_37 = arith.constant 192 : i32
      %dma_start3A_38 = tpu.memref_slice %arg8[%dma_start3A_37] : memref<10240xi32, #tpu.memory_space<vmem>> -> memref<64xi32, #tpu.memory_space<vmem>>
      %dma_start3A_39 = arith.constant 0 : i32
      %dma_start3A_40 = arith.constant 0 : i32
      %dma_start3A_41 = tpu.memref_slice %arg3[%dma_start3A_39, %dma_start3A_40] : memref<10240x128xf32, #tpu.memory_space<hbm>> -> memref<10240x128xf32, #tpu.memory_space<hbm>>
      tpu.enqueue_indirect_dma source(%dma_start3A_41 : memref<10240x128xf32, #tpu.memory_space<hbm>>) target(%arg16 : memref<64x128xf32, #tpu.memory_space<vmem>>) offsets(%dma_start3A_38 : memref<64xi32, #tpu.memory_space<vmem>>) semaphore(%arg21 : memref<!tpu.dma_semaphore, #tpu.memory_space<semaphore_mem>>)
      %add3A_42 = arith.constant 192 : i32
      %add3A_43 = arith.addi %mul3A_0, %add3A_42 : i32
      %dma_start3A_44 = tpu.memref_slice %arg5[%add3A_43] : memref<163840xi32, #tpu.memory_space<hbm>> -> memref<64xi32, #tpu.memory_space<hbm>>
      %dma_start3A_45 = tpu.memref_slice %arg5[%add3A_43] : memref<163840xi32, #tpu.memory_space<hbm>> -> memref<64xi32, #tpu.memory_space<hbm>>
      tpu.enqueue_dma source(%dma_start3A_45 : memref<64xi32, #tpu.memory_space<hbm>>) target(%arg12 : memref<64xi32, #tpu.memory_space<vmem>>) target_semaphore(%arg25 : memref<!tpu.dma_semaphore, #tpu.memory_space<semaphore_mem>>)
      %scan3A = arith.constant 0 : i32
      %scan3A_46 = arith.constant 0 : i32
      %scan3A_47 = arith.constant 39 : i32
      %scan3A_48 = arith.addi %scan3A_46, %scan3A_47 : i32
      %scan3A_49 = arith.constant 1 : i32
      scf.for %scan3A_91 = %scan3A_46 to %scan3A_48 step %scan3A_49  : i32 {
        %mul3A_92 = arith.constant 4 : i32
        %mul3A_93 = arith.muli %mul3A_92, %scan3A_91 : i32
        %add3A_94 = arith.constant 0 : i32
        %add3A_95 = arith.addi %mul3A_93, %add3A_94 : i32
        %mul3A_96 = arith.constant 64 : i32
        %mul3A_97 = arith.muli %mul3A_96, %add3A_95 : i32
        %dma_wait3A_98 = tpu.memref_slice %arg8[%mul3A_97] : memref<10240xi32, #tpu.memory_space<vmem>> -> memref<64xi32, #tpu.memory_space<vmem>>
        %dma_wait3A_99 = arith.constant 0 : i32
        %dma_wait3A_100 = arith.constant 0 : i32
        %dma_wait3A_101 = tpu.memref_slice %arg3[%dma_wait3A_99, %dma_wait3A_100] : memref<10240x128xf32, #tpu.memory_space<hbm>> -> memref<10240x128xf32, #tpu.memory_space<hbm>>
        tpu.wait_indirect_dma semaphore(%arg18 : memref<!tpu.dma_semaphore, #tpu.memory_space<semaphore_mem>>) src(%dma_wait3A_101 : memref<10240x128xf32, #tpu.memory_space<hbm>>) dst(%arg13 : memref<64x128xf32, #tpu.memory_space<vmem>>)
        %mul3A_102 = arith.constant 64 : i32
        %mul3A_103 = arith.muli %mul3A_102, %add3A_95 : i32
        %add3A_104 = arith.addi %mul3A_0, %mul3A_103 : i32
        %dma_wait3A_105 = tpu.memref_slice %arg5[%add3A_104] : memref<163840xi32, #tpu.memory_space<hbm>> -> memref<64xi32, #tpu.memory_space<hbm>>
        %dma_wait3A_106 = tpu.memref_slice %arg5[%add3A_104] : memref<163840xi32, #tpu.memory_space<hbm>> -> memref<64xi32, #tpu.memory_space<hbm>>
        tpu.wait_dma2 semaphore(%arg22 : memref<!tpu.dma_semaphore, #tpu.memory_space<semaphore_mem>>) src(%dma_wait3A_106 : memref<64xi32, #tpu.memory_space<hbm>>) dst(%arg9 : memref<64xi32, #tpu.memory_space<vmem>>)
        "tpu.region"() ({
          %run_scoped3A = tpu.sem_alloc : memref<!tpu.dma_semaphore, #tpu.memory_space<semaphore_mem>>
          %dma_start3A_220 = arith.constant 0 : i32
          %dma_start3A_221 = arith.constant 0 : i32
          %dma_start3A_222 = tpu.memref_slice %arg17[%dma_start3A_220, %dma_start3A_221] : memref<10240x128xf32, #tpu.memory_space<vmem_shared>> -> memref<10240x128xf32, #tpu.memory_space<vmem_shared>>
          tpu.enqueue_indirect_dma source(%arg13 : memref<64x128xf32, #tpu.memory_space<vmem>>) target(%dma_start3A_222 : memref<10240x128xf32, #tpu.memory_space<vmem_shared>>) offsets(%arg9 : memref<64xi32, #tpu.memory_space<vmem>>) semaphore(%run_scoped3A : memref<!tpu.dma_semaphore, #tpu.memory_space<semaphore_mem>>) {add = true}
          %dma_wait3A_223 = arith.constant 0 : i32
          %dma_wait3A_224 = arith.constant 0 : i32
          %dma_wait3A_225 = tpu.memref_slice %arg17[%dma_wait3A_223, %dma_wait3A_224] : memref<10240x128xf32, #tpu.memory_space<vmem_shared>> -> memref<10240x128xf32, #tpu.memory_space<vmem_shared>>
          tpu.wait_indirect_dma semaphore(%run_scoped3A : memref<!tpu.dma_semaphore, #tpu.memory_space<semaphore_mem>>) src(%arg13 : memref<64x128xf32, #tpu.memory_space<vmem>>) dst(%dma_wait3A_225 : memref<10240x128xf32, #tpu.memory_space<vmem_shared>>)
          tpu.yield
        }) : () -> ()
        %mul3A_107 = arith.constant 4 : i32
        %mul3A_108 = arith.muli %mul3A_107, %scan3A_91 : i32
        %add3A_109 = arith.constant 4 : i32
        %add3A_110 = arith.addi %mul3A_108, %add3A_109 : i32
        %add3A_111 = arith.constant 0 : i32
        %add3A_112 = arith.addi %add3A_110, %add3A_111 : i32
        %mul3A_113 = arith.constant 64 : i32
        %mul3A_114 = arith.muli %mul3A_113, %add3A_112 : i32
        %dma_start3A_115 = tpu.memref_slice %arg8[%mul3A_114] : memref<10240xi32, #tpu.memory_space<vmem>> -> memref<64xi32, #tpu.memory_space<vmem>>
        %dma_start3A_116 = arith.constant 0 : i32
        %dma_start3A_117 = arith.constant 0 : i32
        %dma_start3A_118 = tpu.memref_slice %arg3[%dma_start3A_116, %dma_start3A_117] : memref<10240x128xf32, #tpu.memory_space<hbm>> -> memref<10240x128xf32, #tpu.memory_space<hbm>>
        tpu.enqueue_indirect_dma source(%dma_start3A_118 : memref<10240x128xf32, #tpu.memory_space<hbm>>) target(%arg13 : memref<64x128xf32, #tpu.memory_space<vmem>>) offsets(%dma_start3A_115 : memref<64xi32, #tpu.memory_space<vmem>>) semaphore(%arg18 : memref<!tpu.dma_semaphore, #tpu.memory_space<semaphore_mem>>)
        %mul3A_119 = arith.constant 64 : i32
        %mul3A_120 = arith.muli %mul3A_119, %add3A_112 : i32
        %add3A_121 = arith.addi %mul3A_0, %mul3A_120 : i32
        %dma_start3A_122 = tpu.memref_slice %arg5[%add3A_121] : memref<163840xi32, #tpu.memory_space<hbm>> -> memref<64xi32, #tpu.memory_space<hbm>>
        %dma_start3A_123 = tpu.memref_slice %arg5[%add3A_121] : memref<163840xi32, #tpu.memory_space<hbm>> -> memref<64xi32, #tpu.memory_space<hbm>>
        tpu.enqueue_dma source(%dma_start3A_123 : memref<64xi32, #tpu.memory_space<hbm>>) target(%arg9 : memref<64xi32, #tpu.memory_space<vmem>>) target_semaphore(%arg22 : memref<!tpu.dma_semaphore, #tpu.memory_space<semaphore_mem>>)
        %mul3A_124 = arith.constant 4 : i32
        %mul3A_125 = arith.muli %mul3A_124, %scan3A_91 : i32
        %add3A_126 = arith.constant 1 : i32
        %add3A_127 = arith.addi %mul3A_125, %add3A_126 : i32
        %mul3A_128 = arith.constant 64 : i32
        %mul3A_129 = arith.muli %mul3A_128, %add3A_127 : i32
        %dma_wait3A_130 = tpu.memref_slice %arg8[%mul3A_129] : memref<10240xi32, #tpu.memory_space<vmem>> -> memref<64xi32, #tpu.memory_space<vmem>>
        %dma_wait3A_131 = arith.constant 0 : i32
        %dma_wait3A_132 = arith.constant 0 : i32
        %dma_wait3A_133 = tpu.memref_slice %arg3[%dma_wait3A_131, %dma_wait3A_132] : memref<10240x128xf32, #tpu.memory_space<hbm>> -> memref<10240x128xf32, #tpu.memory_space<hbm>>
        tpu.wait_indirect_dma semaphore(%arg19 : memref<!tpu.dma_semaphore, #tpu.memory_space<semaphore_mem>>) src(%dma_wait3A_133 : memref<10240x128xf32, #tpu.memory_space<hbm>>) dst(%arg14 : memref<64x128xf32, #tpu.memory_space<vmem>>)
        %mul3A_134 = arith.constant 64 : i32
        %mul3A_135 = arith.muli %mul3A_134, %add3A_127 : i32
        %add3A_136 = arith.addi %mul3A_0, %mul3A_135 : i32
        %dma_wait3A_137 = tpu.memref_slice %arg5[%add3A_136] : memref<163840xi32, #tpu.memory_space<hbm>> -> memref<64xi32, #tpu.memory_space<hbm>>
        %dma_wait3A_138 = tpu.memref_slice %arg5[%add3A_136] : memref<163840xi32, #tpu.memory_space<hbm>> -> memref<64xi32, #tpu.memory_space<hbm>>
        tpu.wait_dma2 semaphore(%arg23 : memref<!tpu.dma_semaphore, #tpu.memory_space<semaphore_mem>>) src(%dma_wait3A_138 : memref<64xi32, #tpu.memory_space<hbm>>) dst(%arg10 : memref<64xi32, #tpu.memory_space<vmem>>)
        "tpu.region"() ({
          %run_scoped3A = tpu.sem_alloc : memref<!tpu.dma_semaphore, #tpu.memory_space<semaphore_mem>>
          %dma_start3A_220 = arith.constant 0 : i32
          %dma_start3A_221 = arith.constant 0 : i32
          %dma_start3A_222 = tpu.memref_slice %arg17[%dma_start3A_220, %dma_start3A_221] : memref<10240x128xf32, #tpu.memory_space<vmem_shared>> -> memref<10240x128xf32, #tpu.memory_space<vmem_shared>>
          tpu.enqueue_indirect_dma source(%arg14 : memref<64x128xf32, #tpu.memory_space<vmem>>) target(%dma_start3A_222 : memref<10240x128xf32, #tpu.memory_space<vmem_shared>>) offsets(%arg10 : memref<64xi32, #tpu.memory_space<vmem>>) semaphore(%run_scoped3A : memref<!tpu.dma_semaphore, #tpu.memory_space<semaphore_mem>>) {add = true}
          %dma_wait3A_223 = arith.constant 0 : i32
          %dma_wait3A_224 = arith.constant 0 : i32
          %dma_wait3A_225 = tpu.memref_slice %arg17[%dma_wait3A_223, %dma_wait3A_224] : memref<10240x128xf32, #tpu.memory_space<vmem_shared>> -> memref<10240x128xf32, #tpu.memory_space<vmem_shared>>
          tpu.wait_indirect_dma semaphore(%run_scoped3A : memref<!tpu.dma_semaphore, #tpu.memory_space<semaphore_mem>>) src(%arg14 : memref<64x128xf32, #tpu.memory_space<vmem>>) dst(%dma_wait3A_225 : memref<10240x128xf32, #tpu.memory_space<vmem_shared>>)
          tpu.yield
        }) : () -> ()
        %mul3A_139 = arith.constant 4 : i32
        %mul3A_140 = arith.muli %mul3A_139, %scan3A_91 : i32
        %add3A_141 = arith.constant 4 : i32
        %add3A_142 = arith.addi %mul3A_140, %add3A_141 : i32
        %add3A_143 = arith.constant 1 : i32
        %add3A_144 = arith.addi %add3A_142, %add3A_143 : i32
        %mul3A_145 = arith.constant 64 : i32
        %mul3A_146 = arith.muli %mul3A_145, %add3A_144 : i32
        %dma_start3A_147 = tpu.memref_slice %arg8[%mul3A_146] : memref<10240xi32, #tpu.memory_space<vmem>> -> memref<64xi32, #tpu.memory_space<vmem>>
        %dma_start3A_148 = arith.constant 0 : i32
        %dma_start3A_149 = arith.constant 0 : i32
        %dma_start3A_150 = tpu.memref_slice %arg3[%dma_start3A_148, %dma_start3A_149] : memref<10240x128xf32, #tpu.memory_space<hbm>> -> memref<10240x128xf32, #tpu.memory_space<hbm>>
        tpu.enqueue_indirect_dma source(%dma_start3A_150 : memref<10240x128xf32, #tpu.memory_space<hbm>>) target(%arg14 : memref<64x128xf32, #tpu.memory_space<vmem>>) offsets(%dma_start3A_147 : memref<64xi32, #tpu.memory_space<vmem>>) semaphore(%arg19 : memref<!tpu.dma_semaphore, #tpu.memory_space<semaphore_mem>>)
        %mul3A_151 = arith.constant 64 : i32
        %mul3A_152 = arith.muli %mul3A_151, %add3A_144 : i32
        %add3A_153 = arith.addi %mul3A_0, %mul3A_152 : i32
        %dma_start3A_154 = tpu.memref_slice %arg5[%add3A_153] : memref<163840xi32, #tpu.memory_space<hbm>> -> memref<64xi32, #tpu.memory_space<hbm>>
        %dma_start3A_155 = tpu.memref_slice %arg5[%add3A_153] : memref<163840xi32, #tpu.memory_space<hbm>> -> memref<64xi32, #tpu.memory_space<hbm>>
        tpu.enqueue_dma source(%dma_start3A_155 : memref<64xi32, #tpu.memory_space<hbm>>) target(%arg10 : memref<64xi32, #tpu.memory_space<vmem>>) target_semaphore(%arg23 : memref<!tpu.dma_semaphore, #tpu.memory_space<semaphore_mem>>)
        %mul3A_156 = arith.constant 4 : i32
        %mul3A_157 = arith.muli %mul3A_156, %scan3A_91 : i32
        %add3A_158 = arith.constant 2 : i32
        %add3A_159 = arith.addi %mul3A_157, %add3A_158 : i32
        %mul3A_160 = arith.constant 64 : i32
        %mul3A_161 = arith.muli %mul3A_160, %add3A_159 : i32
        %dma_wait3A_162 = tpu.memref_slice %arg8[%mul3A_161] : memref<10240xi32, #tpu.memory_space<vmem>> -> memref<64xi32, #tpu.memory_space<vmem>>
        %dma_wait3A_163 = arith.constant 0 : i32
        %dma_wait3A_164 = arith.constant 0 : i32
        %dma_wait3A_165 = tpu.memref_slice %arg3[%dma_wait3A_163, %dma_wait3A_164] : memref<10240x128xf32, #tpu.memory_space<hbm>> -> memref<10240x128xf32, #tpu.memory_space<hbm>>
        tpu.wait_indirect_dma semaphore(%arg20 : memref<!tpu.dma_semaphore, #tpu.memory_space<semaphore_mem>>) src(%dma_wait3A_165 : memref<10240x128xf32, #tpu.memory_space<hbm>>) dst(%arg15 : memref<64x128xf32, #tpu.memory_space<vmem>>)
        %mul3A_166 = arith.constant 64 : i32
        %mul3A_167 = arith.muli %mul3A_166, %add3A_159 : i32
        %add3A_168 = arith.addi %mul3A_0, %mul3A_167 : i32
        %dma_wait3A_169 = tpu.memref_slice %arg5[%add3A_168] : memref<163840xi32, #tpu.memory_space<hbm>> -> memref<64xi32, #tpu.memory_space<hbm>>
        %dma_wait3A_170 = tpu.memref_slice %arg5[%add3A_168] : memref<163840xi32, #tpu.memory_space<hbm>> -> memref<64xi32, #tpu.memory_space<hbm>>
        tpu.wait_dma2 semaphore(%arg24 : memref<!tpu.dma_semaphore, #tpu.memory_space<semaphore_mem>>) src(%dma_wait3A_170 : memref<64xi32, #tpu.memory_space<hbm>>) dst(%arg11 : memref<64xi32, #tpu.memory_space<vmem>>)
        "tpu.region"() ({
          %run_scoped3A = tpu.sem_alloc : memref<!tpu.dma_semaphore, #tpu.memory_space<semaphore_mem>>
          %dma_start3A_220 = arith.constant 0 : i32
          %dma_start3A_221 = arith.constant 0 : i32
          %dma_start3A_222 = tpu.memref_slice %arg17[%dma_start3A_220, %dma_start3A_221] : memref<10240x128xf32, #tpu.memory_space<vmem_shared>> -> memref<10240x128xf32, #tpu.memory_space<vmem_shared>>
          tpu.enqueue_indirect_dma source(%arg15 : memref<64x128xf32, #tpu.memory_space<vmem>>) target(%dma_start3A_222 : memref<10240x128xf32, #tpu.memory_space<vmem_shared>>) offsets(%arg11 : memref<64xi32, #tpu.memory_space<vmem>>) semaphore(%run_scoped3A : memref<!tpu.dma_semaphore, #tpu.memory_space<semaphore_mem>>) {add = true}
          %dma_wait3A_223 = arith.constant 0 : i32
          %dma_wait3A_224 = arith.constant 0 : i32
          %dma_wait3A_225 = tpu.memref_slice %arg17[%dma_wait3A_223, %dma_wait3A_224] : memref<10240x128xf32, #tpu.memory_space<vmem_shared>> -> memref<10240x128xf32, #tpu.memory_space<vmem_shared>>
          tpu.wait_indirect_dma semaphore(%run_scoped3A : memref<!tpu.dma_semaphore, #tpu.memory_space<semaphore_mem>>) src(%arg15 : memref<64x128xf32, #tpu.memory_space<vmem>>) dst(%dma_wait3A_225 : memref<10240x128xf32, #tpu.memory_space<vmem_shared>>)
          tpu.yield
        }) : () -> ()
        %mul3A_171 = arith.constant 4 : i32
        %mul3A_172 = arith.muli %mul3A_171, %scan3A_91 : i32
        %add3A_173 = arith.constant 4 : i32
        %add3A_174 = arith.addi %mul3A_172, %add3A_173 : i32
        %add3A_175 = arith.constant 2 : i32
        %add3A_176 = arith.addi %add3A_174, %add3A_175 : i32
        %mul3A_177 = arith.constant 64 : i32
        %mul3A_178 = arith.muli %mul3A_177, %add3A_176 : i32
        %dma_start3A_179 = tpu.memref_slice %arg8[%mul3A_178] : memref<10240xi32, #tpu.memory_space<vmem>> -> memref<64xi32, #tpu.memory_space<vmem>>
        %dma_start3A_180 = arith.constant 0 : i32
        %dma_start3A_181 = arith.constant 0 : i32
        %dma_start3A_182 = tpu.memref_slice %arg3[%dma_start3A_180, %dma_start3A_181] : memref<10240x128xf32, #tpu.memory_space<hbm>> -> memref<10240x128xf32, #tpu.memory_space<hbm>>
        tpu.enqueue_indirect_dma source(%dma_start3A_182 : memref<10240x128xf32, #tpu.memory_space<hbm>>) target(%arg15 : memref<64x128xf32, #tpu.memory_space<vmem>>) offsets(%dma_start3A_179 : memref<64xi32, #tpu.memory_space<vmem>>) semaphore(%arg20 : memref<!tpu.dma_semaphore, #tpu.memory_space<semaphore_mem>>)
        %mul3A_183 = arith.constant 64 : i32
        %mul3A_184 = arith.muli %mul3A_183, %add3A_176 : i32
        %add3A_185 = arith.addi %mul3A_0, %mul3A_184 : i32
        %dma_start3A_186 = tpu.memref_slice %arg5[%add3A_185] : memref<163840xi32, #tpu.memory_space<hbm>> -> memref<64xi32, #tpu.memory_space<hbm>>
        %dma_start3A_187 = tpu.memref_slice %arg5[%add3A_185] : memref<163840xi32, #tpu.memory_space<hbm>> -> memref<64xi32, #tpu.memory_space<hbm>>
        tpu.enqueue_dma source(%dma_start3A_187 : memref<64xi32, #tpu.memory_space<hbm>>) target(%arg11 : memref<64xi32, #tpu.memory_space<vmem>>) target_semaphore(%arg24 : memref<!tpu.dma_semaphore, #tpu.memory_space<semaphore_mem>>)
        %mul3A_188 = arith.constant 4 : i32
        %mul3A_189 = arith.muli %mul3A_188, %scan3A_91 : i32
        %add3A_190 = arith.constant 3 : i32
        %add3A_191 = arith.addi %mul3A_189, %add3A_190 : i32
        %mul3A_192 = arith.constant 64 : i32
        %mul3A_193 = arith.muli %mul3A_192, %add3A_191 : i32
        %dma_wait3A_194 = tpu.memref_slice %arg8[%mul3A_193] : memref<10240xi32, #tpu.memory_space<vmem>> -> memref<64xi32, #tpu.memory_space<vmem>>
        %dma_wait3A_195 = arith.constant 0 : i32
        %dma_wait3A_196 = arith.constant 0 : i32
        %dma_wait3A_197 = tpu.memref_slice %arg3[%dma_wait3A_195, %dma_wait3A_196] : memref<10240x128xf32, #tpu.memory_space<hbm>> -> memref<10240x128xf32, #tpu.memory_space<hbm>>
        tpu.wait_indirect_dma semaphore(%arg21 : memref<!tpu.dma_semaphore, #tpu.memory_space<semaphore_mem>>) src(%dma_wait3A_197 : memref<10240x128xf32, #tpu.memory_space<hbm>>) dst(%arg16 : memref<64x128xf32, #tpu.memory_space<vmem>>)
        %mul3A_198 = arith.constant 64 : i32
        %mul3A_199 = arith.muli %mul3A_198, %add3A_191 : i32
        %add3A_200 = arith.addi %mul3A_0, %mul3A_199 : i32
        %dma_wait3A_201 = tpu.memref_slice %arg5[%add3A_200] : memref<163840xi32, #tpu.memory_space<hbm>> -> memref<64xi32, #tpu.memory_space<hbm>>
        %dma_wait3A_202 = tpu.memref_slice %arg5[%add3A_200] : memref<163840xi32, #tpu.memory_space<hbm>> -> memref<64xi32, #tpu.memory_space<hbm>>
        tpu.wait_dma2 semaphore(%arg25 : memref<!tpu.dma_semaphore, #tpu.memory_space<semaphore_mem>>) src(%dma_wait3A_202 : memref<64xi32, #tpu.memory_space<hbm>>) dst(%arg12 : memref<64xi32, #tpu.memory_space<vmem>>)
        "tpu.region"() ({
          %run_scoped3A = tpu.sem_alloc : memref<!tpu.dma_semaphore, #tpu.memory_space<semaphore_mem>>
          %dma_start3A_220 = arith.constant 0 : i32
          %dma_start3A_221 = arith.constant 0 : i32
          %dma_start3A_222 = tpu.memref_slice %arg17[%dma_start3A_220, %dma_start3A_221] : memref<10240x128xf32, #tpu.memory_space<vmem_shared>> -> memref<10240x128xf32, #tpu.memory_space<vmem_shared>>
          tpu.enqueue_indirect_dma source(%arg16 : memref<64x128xf32, #tpu.memory_space<vmem>>) target(%dma_start3A_222 : memref<10240x128xf32, #tpu.memory_space<vmem_shared>>) offsets(%arg12 : memref<64xi32, #tpu.memory_space<vmem>>) semaphore(%run_scoped3A : memref<!tpu.dma_semaphore, #tpu.memory_space<semaphore_mem>>) {add = true}
          %dma_wait3A_223 = arith.constant 0 : i32
          %dma_wait3A_224 = arith.constant 0 : i32
          %dma_wait3A_225 = tpu.memref_slice %arg17[%dma_wait3A_223, %dma_wait3A_224] : memref<10240x128xf32, #tpu.memory_space<vmem_shared>> -> memref<10240x128xf32, #tpu.memory_space<vmem_shared>>
          tpu.wait_indirect_dma semaphore(%run_scoped3A : memref<!tpu.dma_semaphore, #tpu.memory_space<semaphore_mem>>) src(%arg16 : memref<64x128xf32, #tpu.memory_space<vmem>>) dst(%dma_wait3A_225 : memref<10240x128xf32, #tpu.memory_space<vmem_shared>>)
          tpu.yield
        }) : () -> ()
        %mul3A_203 = arith.constant 4 : i32
        %mul3A_204 = arith.muli %mul3A_203, %scan3A_91 : i32
        %add3A_205 = arith.constant 4 : i32
        %add3A_206 = arith.addi %mul3A_204, %add3A_205 : i32
        %add3A_207 = arith.constant 3 : i32
        %add3A_208 = arith.addi %add3A_206, %add3A_207 : i32
        %mul3A_209 = arith.constant 64 : i32
        %mul3A_210 = arith.muli %mul3A_209, %add3A_208 : i32
        %dma_start3A_211 = tpu.memref_slice %arg8[%mul3A_210] : memref<10240xi32, #tpu.memory_space<vmem>> -> memref<64xi32, #tpu.memory_space<vmem>>
        %dma_start3A_212 = arith.constant 0 : i32
        %dma_start3A_213 = arith.constant 0 : i32
        %dma_start3A_214 = tpu.memref_slice %arg3[%dma_start3A_212, %dma_start3A_213] : memref<10240x128xf32, #tpu.memory_space<hbm>> -> memref<10240x128xf32, #tpu.memory_space<hbm>>
        tpu.enqueue_indirect_dma source(%dma_start3A_214 : memref<10240x128xf32, #tpu.memory_space<hbm>>) target(%arg16 : memref<64x128xf32, #tpu.memory_space<vmem>>) offsets(%dma_start3A_211 : memref<64xi32, #tpu.memory_space<vmem>>) semaphore(%arg21 : memref<!tpu.dma_semaphore, #tpu.memory_space<semaphore_mem>>)
        %mul3A_215 = arith.constant 64 : i32
        %mul3A_216 = arith.muli %mul3A_215, %add3A_208 : i32
        %add3A_217 = arith.addi %mul3A_0, %mul3A_216 : i32
        %dma_start3A_218 = tpu.memref_slice %arg5[%add3A_217] : memref<163840xi32, #tpu.memory_space<hbm>> -> memref<64xi32, #tpu.memory_space<hbm>>
        %dma_start3A_219 = tpu.memref_slice %arg5[%add3A_217] : memref<163840xi32, #tpu.memory_space<hbm>> -> memref<64xi32, #tpu.memory_space<hbm>>
        tpu.enqueue_dma source(%dma_start3A_219 : memref<64xi32, #tpu.memory_space<hbm>>) target(%arg12 : memref<64xi32, #tpu.memory_space<vmem>>) target_semaphore(%arg25 : memref<!tpu.dma_semaphore, #tpu.memory_space<semaphore_mem>>)
      }
      %scan3A_50 = arith.constant 39 : i32
      %dma_wait3A = arith.constant 9984 : i32
      %dma_wait3A_51 = tpu.memref_slice %arg8[%dma_wait3A] : memref<10240xi32, #tpu.memory_space<vmem>> -> memref<64xi32, #tpu.memory_space<vmem>>
      %dma_wait3A_52 = arith.constant 0 : i32
      %dma_wait3A_53 = arith.constant 0 : i32
      %dma_wait3A_54 = tpu.memref_slice %arg3[%dma_wait3A_52, %dma_wait3A_53] : memref<10240x128xf32, #tpu.memory_space<hbm>> -> memref<10240x128xf32, #tpu.memory_space<hbm>>
      tpu.wait_indirect_dma semaphore(%arg18 : memref<!tpu.dma_semaphore, #tpu.memory_space<semaphore_mem>>) src(%dma_wait3A_54 : memref<10240x128xf32, #tpu.memory_space<hbm>>) dst(%arg13 : memref<64x128xf32, #tpu.memory_space<vmem>>)
      %add3A_55 = arith.constant 9984 : i32
      %add3A_56 = arith.addi %mul3A_0, %add3A_55 : i32
      %dma_wait3A_57 = tpu.memref_slice %arg5[%add3A_56] : memref<163840xi32, #tpu.memory_space<hbm>> -> memref<64xi32, #tpu.memory_space<hbm>>
      %dma_wait3A_58 = tpu.memref_slice %arg5[%add3A_56] : memref<163840xi32, #tpu.memory_space<hbm>> -> memref<64xi32, #tpu.memory_space<hbm>>
      tpu.wait_dma2 semaphore(%arg22 : memref<!tpu.dma_semaphore, #tpu.memory_space<semaphore_mem>>) src(%dma_wait3A_58 : memref<64xi32, #tpu.memory_space<hbm>>) dst(%arg9 : memref<64xi32, #tpu.memory_space<vmem>>)
      "tpu.region"() ({
        %run_scoped3A = tpu.sem_alloc : memref<!tpu.dma_semaphore, #tpu.memory_space<semaphore_mem>>
        %dma_start3A_91 = arith.constant 0 : i32
        %dma_start3A_92 = arith.constant 0 : i32
        %dma_start3A_93 = tpu.memref_slice %arg17[%dma_start3A_91, %dma_start3A_92] : memref<10240x128xf32, #tpu.memory_space<vmem_shared>> -> memref<10240x128xf32, #tpu.memory_space<vmem_shared>>
        tpu.enqueue_indirect_dma source(%arg13 : memref<64x128xf32, #tpu.memory_space<vmem>>) target(%dma_start3A_93 : memref<10240x128xf32, #tpu.memory_space<vmem_shared>>) offsets(%arg9 : memref<64xi32, #tpu.memory_space<vmem>>) semaphore(%run_scoped3A : memref<!tpu.dma_semaphore, #tpu.memory_space<semaphore_mem>>) {add = true}
        %dma_wait3A_94 = arith.constant 0 : i32
        %dma_wait3A_95 = arith.constant 0 : i32
        %dma_wait3A_96 = tpu.memref_slice %arg17[%dma_wait3A_94, %dma_wait3A_95] : memref<10240x128xf32, #tpu.memory_space<vmem_shared>> -> memref<10240x128xf32, #tpu.memory_space<vmem_shared>>
        tpu.wait_indirect_dma semaphore(%run_scoped3A : memref<!tpu.dma_semaphore, #tpu.memory_space<semaphore_mem>>) src(%arg13 : memref<64x128xf32, #tpu.memory_space<vmem>>) dst(%dma_wait3A_96 : memref<10240x128xf32, #tpu.memory_space<vmem_shared>>)
        tpu.yield
      }) : () -> ()
      %dma_wait3A_59 = arith.constant 10048 : i32
      %dma_wait3A_60 = tpu.memref_slice %arg8[%dma_wait3A_59] : memref<10240xi32, #tpu.memory_space<vmem>> -> memref<64xi32, #tpu.memory_space<vmem>>
      %dma_wait3A_61 = arith.constant 0 : i32
      %dma_wait3A_62 = arith.constant 0 : i32
      %dma_wait3A_63 = tpu.memref_slice %arg3[%dma_wait3A_61, %dma_wait3A_62] : memref<10240x128xf32, #tpu.memory_space<hbm>> -> memref<10240x128xf32, #tpu.memory_space<hbm>>
      tpu.wait_indirect_dma semaphore(%arg19 : memref<!tpu.dma_semaphore, #tpu.memory_space<semaphore_mem>>) src(%dma_wait3A_63 : memref<10240x128xf32, #tpu.memory_space<hbm>>) dst(%arg14 : memref<64x128xf32, #tpu.memory_space<vmem>>)
      %add3A_64 = arith.constant 10048 : i32
      %add3A_65 = arith.addi %mul3A_0, %add3A_64 : i32
      %dma_wait3A_66 = tpu.memref_slice %arg5[%add3A_65] : memref<163840xi32, #tpu.memory_space<hbm>> -> memref<64xi32, #tpu.memory_space<hbm>>
      %dma_wait3A_67 = tpu.memref_slice %arg5[%add3A_65] : memref<163840xi32, #tpu.memory_space<hbm>> -> memref<64xi32, #tpu.memory_space<hbm>>
      tpu.wait_dma2 semaphore(%arg23 : memref<!tpu.dma_semaphore, #tpu.memory_space<semaphore_mem>>) src(%dma_wait3A_67 : memref<64xi32, #tpu.memory_space<hbm>>) dst(%arg10 : memref<64xi32, #tpu.memory_space<vmem>>)
      "tpu.region"() ({
        %run_scoped3A = tpu.sem_alloc : memref<!tpu.dma_semaphore, #tpu.memory_space<semaphore_mem>>
        %dma_start3A_91 = arith.constant 0 : i32
        %dma_start3A_92 = arith.constant 0 : i32
        %dma_start3A_93 = tpu.memref_slice %arg17[%dma_start3A_91, %dma_start3A_92] : memref<10240x128xf32, #tpu.memory_space<vmem_shared>> -> memref<10240x128xf32, #tpu.memory_space<vmem_shared>>
        tpu.enqueue_indirect_dma source(%arg14 : memref<64x128xf32, #tpu.memory_space<vmem>>) target(%dma_start3A_93 : memref<10240x128xf32, #tpu.memory_space<vmem_shared>>) offsets(%arg10 : memref<64xi32, #tpu.memory_space<vmem>>) semaphore(%run_scoped3A : memref<!tpu.dma_semaphore, #tpu.memory_space<semaphore_mem>>) {add = true}
        %dma_wait3A_94 = arith.constant 0 : i32
        %dma_wait3A_95 = arith.constant 0 : i32
        %dma_wait3A_96 = tpu.memref_slice %arg17[%dma_wait3A_94, %dma_wait3A_95] : memref<10240x128xf32, #tpu.memory_space<vmem_shared>> -> memref<10240x128xf32, #tpu.memory_space<vmem_shared>>
        tpu.wait_indirect_dma semaphore(%run_scoped3A : memref<!tpu.dma_semaphore, #tpu.memory_space<semaphore_mem>>) src(%arg14 : memref<64x128xf32, #tpu.memory_space<vmem>>) dst(%dma_wait3A_96 : memref<10240x128xf32, #tpu.memory_space<vmem_shared>>)
        tpu.yield
      }) : () -> ()
      %dma_wait3A_68 = arith.constant 10112 : i32
      %dma_wait3A_69 = tpu.memref_slice %arg8[%dma_wait3A_68] : memref<10240xi32, #tpu.memory_space<vmem>> -> memref<64xi32, #tpu.memory_space<vmem>>
      %dma_wait3A_70 = arith.constant 0 : i32
      %dma_wait3A_71 = arith.constant 0 : i32
      %dma_wait3A_72 = tpu.memref_slice %arg3[%dma_wait3A_70, %dma_wait3A_71] : memref<10240x128xf32, #tpu.memory_space<hbm>> -> memref<10240x128xf32, #tpu.memory_space<hbm>>
      tpu.wait_indirect_dma semaphore(%arg20 : memref<!tpu.dma_semaphore, #tpu.memory_space<semaphore_mem>>) src(%dma_wait3A_72 : memref<10240x128xf32, #tpu.memory_space<hbm>>) dst(%arg15 : memref<64x128xf32, #tpu.memory_space<vmem>>)
      %add3A_73 = arith.constant 10112 : i32
      %add3A_74 = arith.addi %mul3A_0, %add3A_73 : i32
      %dma_wait3A_75 = tpu.memref_slice %arg5[%add3A_74] : memref<163840xi32, #tpu.memory_space<hbm>> -> memref<64xi32, #tpu.memory_space<hbm>>
      %dma_wait3A_76 = tpu.memref_slice %arg5[%add3A_74] : memref<163840xi32, #tpu.memory_space<hbm>> -> memref<64xi32, #tpu.memory_space<hbm>>
      tpu.wait_dma2 semaphore(%arg24 : memref<!tpu.dma_semaphore, #tpu.memory_space<semaphore_mem>>) src(%dma_wait3A_76 : memref<64xi32, #tpu.memory_space<hbm>>) dst(%arg11 : memref<64xi32, #tpu.memory_space<vmem>>)
      "tpu.region"() ({
        %run_scoped3A = tpu.sem_alloc : memref<!tpu.dma_semaphore, #tpu.memory_space<semaphore_mem>>
        %dma_start3A_91 = arith.constant 0 : i32
        %dma_start3A_92 = arith.constant 0 : i32
        %dma_start3A_93 = tpu.memref_slice %arg17[%dma_start3A_91, %dma_start3A_92] : memref<10240x128xf32, #tpu.memory_space<vmem_shared>> -> memref<10240x128xf32, #tpu.memory_space<vmem_shared>>
        tpu.enqueue_indirect_dma source(%arg15 : memref<64x128xf32, #tpu.memory_space<vmem>>) target(%dma_start3A_93 : memref<10240x128xf32, #tpu.memory_space<vmem_shared>>) offsets(%arg11 : memref<64xi32, #tpu.memory_space<vmem>>) semaphore(%run_scoped3A : memref<!tpu.dma_semaphore, #tpu.memory_space<semaphore_mem>>) {add = true}
        %dma_wait3A_94 = arith.constant 0 : i32
        %dma_wait3A_95 = arith.constant 0 : i32
        %dma_wait3A_96 = tpu.memref_slice %arg17[%dma_wait3A_94, %dma_wait3A_95] : memref<10240x128xf32, #tpu.memory_space<vmem_shared>> -> memref<10240x128xf32, #tpu.memory_space<vmem_shared>>
        tpu.wait_indirect_dma semaphore(%run_scoped3A : memref<!tpu.dma_semaphore, #tpu.memory_space<semaphore_mem>>) src(%arg15 : memref<64x128xf32, #tpu.memory_space<vmem>>) dst(%dma_wait3A_96 : memref<10240x128xf32, #tpu.memory_space<vmem_shared>>)
        tpu.yield
      }) : () -> ()
      %dma_wait3A_77 = arith.constant 10176 : i32
      %dma_wait3A_78 = tpu.memref_slice %arg8[%dma_wait3A_77] : memref<10240xi32, #tpu.memory_space<vmem>> -> memref<64xi32, #tpu.memory_space<vmem>>
      %dma_wait3A_79 = arith.constant 0 : i32
      %dma_wait3A_80 = arith.constant 0 : i32
      %dma_wait3A_81 = tpu.memref_slice %arg3[%dma_wait3A_79, %dma_wait3A_80] : memref<10240x128xf32, #tpu.memory_space<hbm>> -> memref<10240x128xf32, #tpu.memory_space<hbm>>
      tpu.wait_indirect_dma semaphore(%arg21 : memref<!tpu.dma_semaphore, #tpu.memory_space<semaphore_mem>>) src(%dma_wait3A_81 : memref<10240x128xf32, #tpu.memory_space<hbm>>) dst(%arg16 : memref<64x128xf32, #tpu.memory_space<vmem>>)
      %add3A_82 = arith.constant 10176 : i32
      %add3A_83 = arith.addi %mul3A_0, %add3A_82 : i32
      %dma_wait3A_84 = tpu.memref_slice %arg5[%add3A_83] : memref<163840xi32, #tpu.memory_space<hbm>> -> memref<64xi32, #tpu.memory_space<hbm>>
      %dma_wait3A_85 = tpu.memref_slice %arg5[%add3A_83] : memref<163840xi32, #tpu.memory_space<hbm>> -> memref<64xi32, #tpu.memory_space<hbm>>
      tpu.wait_dma2 semaphore(%arg25 : memref<!tpu.dma_semaphore, #tpu.memory_space<semaphore_mem>>) src(%dma_wait3A_85 : memref<64xi32, #tpu.memory_space<hbm>>) dst(%arg12 : memref<64xi32, #tpu.memory_space<vmem>>)
      "tpu.region"() ({
        %run_scoped3A = tpu.sem_alloc : memref<!tpu.dma_semaphore, #tpu.memory_space<semaphore_mem>>
        %dma_start3A_91 = arith.constant 0 : i32
        %dma_start3A_92 = arith.constant 0 : i32
        %dma_start3A_93 = tpu.memref_slice %arg17[%dma_start3A_91, %dma_start3A_92] : memref<10240x128xf32, #tpu.memory_space<vmem_shared>> -> memref<10240x128xf32, #tpu.memory_space<vmem_shared>>
        tpu.enqueue_indirect_dma source(%arg16 : memref<64x128xf32, #tpu.memory_space<vmem>>) target(%dma_start3A_93 : memref<10240x128xf32, #tpu.memory_space<vmem_shared>>) offsets(%arg12 : memref<64xi32, #tpu.memory_space<vmem>>) semaphore(%run_scoped3A : memref<!tpu.dma_semaphore, #tpu.memory_space<semaphore_mem>>) {add = true}
        %dma_wait3A_94 = arith.constant 0 : i32
        %dma_wait3A_95 = arith.constant 0 : i32
        %dma_wait3A_96 = tpu.memref_slice %arg17[%dma_wait3A_94, %dma_wait3A_95] : memref<10240x128xf32, #tpu.memory_space<vmem_shared>> -> memref<10240x128xf32, #tpu.memory_space<vmem_shared>>
        tpu.wait_indirect_dma semaphore(%run_scoped3A : memref<!tpu.dma_semaphore, #tpu.memory_space<semaphore_mem>>) src(%arg16 : memref<64x128xf32, #tpu.memory_space<vmem>>) dst(%dma_wait3A_96 : memref<10240x128xf32, #tpu.memory_space<vmem_shared>>)
        tpu.yield
      }) : () -> ()
      %barrier3A_86 = arith.constant 0 : index
      tpu.barrier barrier_id(%barrier3A_86)
      %mul3A_87 = arith.constant 640 : i32
      %mul3A_88 = arith.muli %arg1, %mul3A_87 : i32
      %mul3A_89 = arith.constant 640 : i32
      %mul3A_90 = arith.muli %arg1, %mul3A_89 : i32
      "tpu.region"() ({
        %run_scoped3A = tpu.sem_alloc : memref<!tpu.dma_semaphore, #tpu.memory_space<semaphore_mem>>
        %dma_start3A_91 = arith.constant 0 : i32
        %dma_start3A_92 = tpu.memref_slice %arg7[%mul3A_90, %dma_start3A_91] : memref<10240x128xf32, #tpu.memory_space<hbm>> -> memref<640x128xf32, #tpu.memory_space<hbm>>
        %dma_start3A_93 = arith.constant 0 : i32
        %dma_start3A_94 = tpu.memref_slice %arg17[%mul3A_88, %dma_start3A_93] : memref<10240x128xf32, #tpu.memory_space<vmem_shared>> -> memref<640x128xf32, #tpu.memory_space<vmem_shared>>
        tpu.enqueue_dma source(%dma_start3A_94 : memref<640x128xf32, #tpu.memory_space<vmem_shared>>) target(%dma_start3A_92 : memref<640x128xf32, #tpu.memory_space<hbm>>) target_semaphore(%run_scoped3A : memref<!tpu.dma_semaphore, #tpu.memory_space<semaphore_mem>>)
        %dma_wait3A_95 = arith.constant 0 : i32
        %dma_wait3A_96 = tpu.memref_slice %arg7[%mul3A_90, %dma_wait3A_95] : memref<10240x128xf32, #tpu.memory_space<hbm>> -> memref<640x128xf32, #tpu.memory_space<hbm>>
        %dma_wait3A_97 = arith.constant 0 : i32
        %dma_wait3A_98 = tpu.memref_slice %arg17[%mul3A_88, %dma_wait3A_97] : memref<10240x128xf32, #tpu.memory_space<vmem_shared>> -> memref<640x128xf32, #tpu.memory_space<vmem_shared>>
        tpu.wait_dma2 semaphore(%run_scoped3A : memref<!tpu.dma_semaphore, #tpu.memory_space<semaphore_mem>>) src(%dma_wait3A_98 : memref<640x128xf32, #tpu.memory_space<vmem_shared>>) dst(%dma_wait3A_96 : memref<640x128xf32, #tpu.memory_space<hbm>>)
        tpu.yield
      }) : () -> ()
    } else {
    }
    return
  }
}

module attributes {stable_mosaic.version = 14 : i64} {
  func.func @_tc_scale(%arg0: i32, %arg1: memref<2000x256xf32, #tpu.memory_space<vmem>>, %arg2: memref<256x256xf32, #tpu.memory_space<vmem>>, %arg3: memref<2000x128xf32, #tpu.memory_space<vmem>>, %arg4: memref<2000x128xf32, #tpu.memory_space<vmem>>, %arg5: memref<2000x128xf32, #tpu.memory_space<vmem>>, %arg6: memref<2000x128xf32, #tpu.memory_space<vmem>>, %arg7: memref<2000x8xf32, #tpu.memory_space<vmem>>) attributes {dimension_semantics = [#tpu.dimension_semantics<arbitrary>], iteration_bounds = array<i64: 5>, scalar_prefetch = 0 : i64, scratch_operands = 0 : i64, tpu.core_type = #tpu.core_type<tc>, window_params = [{transform_indices = @transform_0, window_bounds = array<i64: 2000, 256>}, {pipeline_mode = #tpu.pipeline_mode<synchronous>, transform_indices = @transform_1, window_bounds = array<i64: 256, 256>}, {transform_indices = @transform_2, window_bounds = array<i64: 2000, 128>}, {transform_indices = @transform_3, window_bounds = array<i64: 2000, 128>}, {transform_indices = @transform_4, window_bounds = array<i64: 2000, 128>}, {transform_indices = @transform_5, window_bounds = array<i64: 2000, 128>}, {transform_indices = @transform_6, window_bounds = array<i64: 2000, 8>}]} {
    %get3A = arith.constant 0 : index
    %get3A_0 = arith.constant 0 : index
    %get3A_1 = vector.load %arg3[%get3A, %get3A_0] : memref<2000x128xf32, #tpu.memory_space<vmem>>, vector<2000x128xf32>
    %get3A_2 = arith.constant 0 : index
    %get3A_3 = arith.constant 0 : index
    %get3A_4 = vector.load %arg4[%get3A_2, %get3A_3] : memref<2000x128xf32, #tpu.memory_space<vmem>>, vector<2000x128xf32>
    %reduce_sum3A = arith.constant dense<0.000000e+00> : vector<2000xf32>
    %reduce_sum3A_5 = vector.multi_reduction <add>, %get3A_1, %reduce_sum3A [1] : vector<2000x128xf32> to vector<2000xf32>
    %broadcast_in_dim3A = vector.shape_cast %reduce_sum3A_5 : vector<2000xf32> to vector<2000x1xf32>
    %reduce_sum3A_6 = arith.constant dense<0.000000e+00> : vector<2000xf32>
    %reduce_sum3A_7 = vector.multi_reduction <add>, %get3A_4, %reduce_sum3A_6 [1] : vector<2000x128xf32> to vector<2000xf32>
    %broadcast_in_dim3A_8 = vector.shape_cast %reduce_sum3A_7 : vector<2000xf32> to vector<2000x1xf32>
    %add3A = arith.addf %broadcast_in_dim3A, %broadcast_in_dim3A_8 : vector<2000x1xf32>
    %mul3A = arith.constant 7.812500e-03 : f32
    %mul3A_9 = vector.broadcast %mul3A : f32 to vector<2000x1xf32>
    %mul3A_10 = arith.mulf %add3A, %mul3A_9 : vector<2000x1xf32>
    %add3A_11 = arith.constant 1.000000e+00 : f32
    %add3A_12 = vector.broadcast %add3A_11 : f32 to vector<2000x1xf32>
    %add3A_13 = arith.addf %mul3A_10, %add3A_12 : vector<2000x1xf32>
    %rsqrt3A = math.rsqrt %add3A_13 : vector<2000x1xf32>
    %get3A_14 = arith.constant 0 : index
    %get3A_15 = arith.constant 0 : index
    %get3A_16 = vector.load %arg1[%get3A_14, %get3A_15] : memref<2000x256xf32, #tpu.memory_space<vmem>>, vector<2000x256xf32>
    %get3A_17 = arith.constant 0 : index
    %get3A_18 = arith.constant 0 : index
    %get3A_19 = vector.load %arg2[%get3A_17, %get3A_18] : memref<256x256xf32, #tpu.memory_space<vmem>>, vector<256x256xf32>
    %dot_general3A = arith.constant dense<0.000000e+00> : vector<2000x256xf32>
    %dot_general3A_20 = tpu.matmul %get3A_16, %get3A_19, %dot_general3A {dimension_numbers = #tpu.dot_dimension_numbers<[1], [0], [0], [1], [0, 0, 1, 1], [], []>, transpose_lhs_hint = false} : vector<2000x256xf32>, vector<256x256xf32>, vector<2000x256xf32> -> vector<2000x256xf32>
    %mul3A_21 = vector.broadcast %rsqrt3A : vector<2000x1xf32> to vector<2000x256xf32>
    %mul3A_22 = arith.mulf %dot_general3A_20, %mul3A_21 : vector<2000x256xf32>
    %slice3A = vector.extract_strided_slice %mul3A_22 {offsets = [0, 0], sizes = [2000, 128], strides = [1, 1]} : vector<2000x256xf32> to vector<2000x128xf32>
    %swap3A = arith.constant 0 : index
    %swap3A_23 = arith.constant 0 : index
    %swap3A_24 = vector.load %arg5[%swap3A, %swap3A_23] : memref<2000x128xf32, #tpu.memory_space<vmem>>, vector<2000x128xf32>
    tpu.vector_store %arg5[%swap3A, %swap3A_23], %slice3A {strides = array<i32>} : memref<2000x128xf32, #tpu.memory_space<vmem>>, vector<2000x128xf32>,
    %slice3A_25 = vector.extract_strided_slice %mul3A_22 {offsets = [0, 128], sizes = [2000, 128], strides = [1, 1]} : vector<2000x256xf32> to vector<2000x128xf32>
    %swap3A_26 = arith.constant 0 : index
    %swap3A_27 = arith.constant 0 : index
    %swap3A_28 = vector.load %arg6[%swap3A_26, %swap3A_27] : memref<2000x128xf32, #tpu.memory_space<vmem>>, vector<2000x128xf32>
    tpu.vector_store %arg6[%swap3A_26, %swap3A_27], %slice3A_25 {strides = array<i32>} : memref<2000x128xf32, #tpu.memory_space<vmem>>, vector<2000x128xf32>,
    %broadcast_in_dim3A_29 = vector.shape_cast %rsqrt3A : vector<2000x1xf32> to vector<2000x1xf32>
    %broadcast_in_dim3A_30 = vector.broadcast %broadcast_in_dim3A_29 : vector<2000x1xf32> to vector<2000x8xf32>
    %swap3A_31 = arith.constant 0 : index
    %swap3A_32 = arith.constant 0 : index
    %swap3A_33 = vector.load %arg7[%swap3A_31, %swap3A_32] : memref<2000x8xf32, #tpu.memory_space<vmem>>, vector<2000x8xf32>
    tpu.vector_store %arg7[%swap3A_31, %swap3A_32], %broadcast_in_dim3A_30 {strides = array<i32>} : memref<2000x8xf32, #tpu.memory_space<vmem>>, vector<2000x8xf32>,
    return
  }
  func.func @transform_0(%arg0: i32) -> (i32, i32) {
    %c0_i32 = arith.constant 0 : i32
    %c0_i32_0 = arith.constant 0 : i32
    return %arg0, %c0_i32 : i32, i32
  }
  func.func @transform_1(%arg0: i32) -> (i32, i32) {
    %c0_i32 = arith.constant 0 : i32
    %c0_i32_0 = arith.constant 0 : i32
    %c0_i32_1 = arith.constant 0 : i32
    return %c0_i32, %c0_i32_0 : i32, i32
  }
  func.func @transform_2(%arg0: i32) -> (i32, i32) {
    %c0_i32 = arith.constant 0 : i32
    %c0_i32_0 = arith.constant 0 : i32
    return %arg0, %c0_i32 : i32, i32
  }
  func.func @transform_3(%arg0: i32) -> (i32, i32) {
    %c0_i32 = arith.constant 0 : i32
    %c0_i32_0 = arith.constant 0 : i32
    return %arg0, %c0_i32 : i32, i32
  }
  func.func @transform_4(%arg0: i32) -> (i32, i32) {
    %c0_i32 = arith.constant 0 : i32
    %c0_i32_0 = arith.constant 0 : i32
    return %arg0, %c0_i32 : i32, i32
  }
  func.func @transform_5(%arg0: i32) -> (i32, i32) {
    %c0_i32 = arith.constant 0 : i32
    %c0_i32_0 = arith.constant 0 : i32
    return %arg0, %c0_i32 : i32, i32
  }
  func.func @transform_6(%arg0: i32) -> (i32, i32) {
    %c0_i32 = arith.constant 0 : i32
    %c0_i32_0 = arith.constant 0 : i32
    return %arg0, %c0_i32 : i32, i32
  }
}

module attributes {stable_mosaic.version = 14 : i64} {
  func.func @_tc_final(%arg0: i32, %arg1: i32, %arg2: memref<2000x128xf32, #tpu.memory_space<vmem>>, %arg3: memref<2000x128xf32, #tpu.memory_space<vmem>>, %arg4: memref<2000x8xf32, #tpu.memory_space<vmem>>, %arg5: memref<2000x256xf32, #tpu.memory_space<vmem>>, %arg6: memref<1x256xf32, #tpu.memory_space<vmem>>, %arg7: memref<1x256xf32, #tpu.memory_space<vmem>>, %arg8: memref<1x256xf32, #tpu.memory_space<vmem>>, %arg9: memref<2000x256xf32, #tpu.memory_space<vmem>>, %arg10: memref<1x256xf32, #tpu.memory_space<vmem>>, %arg11: memref<1x256xf32, #tpu.memory_space<vmem>>) attributes {dimension_semantics = [#tpu.dimension_semantics<arbitrary>, #tpu.dimension_semantics<arbitrary>], iteration_bounds = array<i64: 2, 5>, scalar_prefetch = 0 : i64, scratch_operands = 2 : i64, tpu.core_type = #tpu.core_type<tc>, window_params = [{transform_indices = @transform_0, window_bounds = array<i64: 2000, 128>}, {transform_indices = @transform_1, window_bounds = array<i64: 2000, 128>}, {transform_indices = @transform_2, window_bounds = array<i64: 2000, 8>}, {transform_indices = @transform_3, window_bounds = array<i64: 2000, 256>}, {pipeline_mode = #tpu.pipeline_mode<synchronous>, transform_indices = @transform_4, window_bounds = array<i64: 1, 256>}, {pipeline_mode = #tpu.pipeline_mode<synchronous>, transform_indices = @transform_5, window_bounds = array<i64: 1, 256>}, {pipeline_mode = #tpu.pipeline_mode<synchronous>, transform_indices = @transform_6, window_bounds = array<i64: 1, 256>}, {transform_indices = @transform_7, window_bounds = array<i64: 2000, 256>}]} {
    %get3A = arith.constant 0 : index
    %get3A_0 = arith.constant 0 : index
    %get3A_1 = vector.load %arg4[%get3A, %get3A_0] : memref<2000x8xf32, #tpu.memory_space<vmem>>, vector<2000x8xf32>
    %slice3A = vector.extract_strided_slice %get3A_1 {offsets = [0, 0], sizes = [2000, 1], strides = [1, 1]} : vector<2000x8xf32> to vector<2000x1xf32>
    %get3A_2 = arith.constant 0 : index
    %get3A_3 = arith.constant 0 : index
    %get3A_4 = vector.load %arg2[%get3A_2, %get3A_3] : memref<2000x128xf32, #tpu.memory_space<vmem>>, vector<2000x128xf32>
    %get3A_5 = arith.constant 0 : index
    %get3A_6 = arith.constant 0 : index
    %get3A_7 = vector.load %arg3[%get3A_5, %get3A_6] : memref<2000x128xf32, #tpu.memory_space<vmem>>, vector<2000x128xf32>
    %concatenate3A = tpu.concatenate %get3A_4, %get3A_7 in 1 : vector<2000x128xf32>, vector<2000x128xf32> -> vector<2000x256xf32>
    %mul3A = vector.broadcast %slice3A : vector<2000x1xf32> to vector<2000x256xf32>
    %mul3A_8 = arith.mulf %concatenate3A, %mul3A : vector<2000x256xf32>
    %get3A_9 = arith.constant 0 : index
    %get3A_10 = arith.constant 0 : index
    %get3A_11 = vector.load %arg6[%get3A_9, %get3A_10] : memref<1x256xf32, #tpu.memory_space<vmem>>, vector<1x256xf32>
    %add3A = vector.broadcast %get3A_11 : vector<1x256xf32> to vector<2000x256xf32>
    %add3A_12 = arith.addf %mul3A_8, %add3A : vector<2000x256xf32>
    %eq3A = arith.constant 0 : i32
    %eq3A_13 = arith.cmpi eq, %arg0, %eq3A : i32
    %eq3A_14 = arith.constant 0 : i32
    %eq3A_15 = arith.cmpi eq, %arg1, %eq3A_14 : i32
    %and3A = arith.andi %eq3A_13, %eq3A_15 : i1
    %convert_element_type3A = arith.extui %and3A : i1 to i32
    %cond3A = arith.constant 0 : i32
    %cond3A_16 = arith.cmpi ne, %convert_element_type3A, %cond3A : i32
    scf.if %cond3A_16 {
      %broadcast_in_dim3A = arith.constant 0.000000e+00 : f32
      %broadcast_in_dim3A_27 = vector.broadcast %broadcast_in_dim3A : f32 to vector<1x256xf32>
      %swap3A = arith.constant 0 : index
      %swap3A_28 = arith.constant 0 : index
      %swap3A_29 = vector.load %arg10[%swap3A, %swap3A_28] : memref<1x256xf32, #tpu.memory_space<vmem>>, vector<1x256xf32>
      tpu.vector_store %arg10[%swap3A, %swap3A_28], %broadcast_in_dim3A_27 {strides = array<i32>} : memref<1x256xf32, #tpu.memory_space<vmem>>, vector<1x256xf32>,
      %broadcast_in_dim3A_30 = arith.constant 0.000000e+00 : f32
      %broadcast_in_dim3A_31 = vector.broadcast %broadcast_in_dim3A_30 : f32 to vector<1x256xf32>
      %swap3A_32 = arith.constant 0 : index
      %swap3A_33 = arith.constant 0 : index
      %swap3A_34 = vector.load %arg11[%swap3A_32, %swap3A_33] : memref<1x256xf32, #tpu.memory_space<vmem>>, vector<1x256xf32>
      tpu.vector_store %arg11[%swap3A_32, %swap3A_33], %broadcast_in_dim3A_31 {strides = array<i32>} : memref<1x256xf32, #tpu.memory_space<vmem>>, vector<1x256xf32>,
    } else {
    }
    %eq3A_17 = arith.constant 0 : i32
    %eq3A_18 = arith.cmpi eq, %arg0, %eq3A_17 : i32
    %convert_element_type3A_19 = arith.extui %eq3A_18 : i1 to i32
    %cond3A_20 = arith.constant 0 : i32
    %cond3A_21 = arith.cmpi ne, %convert_element_type3A_19, %cond3A_20 : i32
    scf.if %cond3A_21 {
      %get3A_27 = arith.constant 0 : index
      %get3A_28 = arith.constant 0 : index
      %get3A_29 = vector.load %arg10[%get3A_27, %get3A_28] : memref<1x256xf32, #tpu.memory_space<vmem>>, vector<1x256xf32>
      %reduce_sum3A = arith.constant dense<0.000000e+00> : vector<256xf32>
      %reduce_sum3A_30 = vector.multi_reduction <add>, %add3A_12, %reduce_sum3A [0] : vector<2000x256xf32> to vector<256xf32>
      %broadcast_in_dim3A = vector.shape_cast %reduce_sum3A_30 : vector<256xf32> to vector<1x256xf32>
      %add3A_31 = arith.addf %get3A_29, %broadcast_in_dim3A : vector<1x256xf32>
      %swap3A = arith.constant 0 : index
      %swap3A_32 = arith.constant 0 : index
      %swap3A_33 = vector.load %arg10[%swap3A, %swap3A_32] : memref<1x256xf32, #tpu.memory_space<vmem>>, vector<1x256xf32>
      tpu.vector_store %arg10[%swap3A, %swap3A_32], %add3A_31 {strides = array<i32>} : memref<1x256xf32, #tpu.memory_space<vmem>>, vector<1x256xf32>,
      %get3A_34 = arith.constant 0 : index
      %get3A_35 = arith.constant 0 : index
      %get3A_36 = vector.load %arg11[%get3A_34, %get3A_35] : memref<1x256xf32, #tpu.memory_space<vmem>>, vector<1x256xf32>
      %mul3A_37 = arith.mulf %add3A_12, %add3A_12 : vector<2000x256xf32>
      %reduce_sum3A_38 = arith.constant dense<0.000000e+00> : vector<256xf32>
      %reduce_sum3A_39 = vector.multi_reduction <add>, %mul3A_37, %reduce_sum3A_38 [0] : vector<2000x256xf32> to vector<256xf32>
      %broadcast_in_dim3A_40 = vector.shape_cast %reduce_sum3A_39 : vector<256xf32> to vector<1x256xf32>
      %add3A_41 = arith.addf %get3A_36, %broadcast_in_dim3A_40 : vector<1x256xf32>
      %swap3A_42 = arith.constant 0 : index
      %swap3A_43 = arith.constant 0 : index
      %swap3A_44 = vector.load %arg11[%swap3A_42, %swap3A_43] : memref<1x256xf32, #tpu.memory_space<vmem>>, vector<1x256xf32>
      tpu.vector_store %arg11[%swap3A_42, %swap3A_43], %add3A_41 {strides = array<i32>} : memref<1x256xf32, #tpu.memory_space<vmem>>, vector<1x256xf32>,
    } else {
    }
    %eq3A_22 = arith.constant 1 : i32
    %eq3A_23 = arith.cmpi eq, %arg0, %eq3A_22 : i32
    %convert_element_type3A_24 = arith.extui %eq3A_23 : i1 to i32
    %cond3A_25 = arith.constant 0 : i32
    %cond3A_26 = arith.cmpi ne, %convert_element_type3A_24, %cond3A_25 : i32
    scf.if %cond3A_26 {
      %get3A_27 = arith.constant 0 : index
      %get3A_28 = arith.constant 0 : index
      %get3A_29 = vector.load %arg10[%get3A_27, %get3A_28] : memref<1x256xf32, #tpu.memory_space<vmem>>, vector<1x256xf32>
      %mul3A_30 = arith.constant 9.99999974E-5 : f32
      %mul3A_31 = vector.broadcast %mul3A_30 : f32 to vector<1x256xf32>
      %mul3A_32 = arith.mulf %get3A_29, %mul3A_31 : vector<1x256xf32>
      %get3A_33 = arith.constant 0 : index
      %get3A_34 = arith.constant 0 : index
      %get3A_35 = vector.load %arg11[%get3A_33, %get3A_34] : memref<1x256xf32, #tpu.memory_space<vmem>>, vector<1x256xf32>
      %mul3A_36 = arith.constant 9.99999974E-5 : f32
      %mul3A_37 = vector.broadcast %mul3A_36 : f32 to vector<1x256xf32>
      %mul3A_38 = arith.mulf %get3A_35, %mul3A_37 : vector<1x256xf32>
      %mul3A_39 = arith.mulf %mul3A_32, %mul3A_32 : vector<1x256xf32>
      %sub3A = arith.subf %mul3A_38, %mul3A_39 : vector<1x256xf32>
      %add3A_40 = arith.constant 9.99999974E-6 : f32
      %add3A_41 = vector.broadcast %add3A_40 : f32 to vector<1x256xf32>
      %add3A_42 = arith.addf %sub3A, %add3A_41 : vector<1x256xf32>
      %rsqrt3A = math.rsqrt %add3A_42 : vector<1x256xf32>
      %sub3A_43 = vector.broadcast %mul3A_32 : vector<1x256xf32> to vector<2000x256xf32>
      %sub3A_44 = arith.subf %add3A_12, %sub3A_43 : vector<2000x256xf32>
      %mul3A_45 = vector.broadcast %rsqrt3A : vector<1x256xf32> to vector<2000x256xf32>
      %mul3A_46 = arith.mulf %sub3A_44, %mul3A_45 : vector<2000x256xf32>
      %get3A_47 = arith.constant 0 : index
      %get3A_48 = arith.constant 0 : index
      %get3A_49 = vector.load %arg7[%get3A_47, %get3A_48] : memref<1x256xf32, #tpu.memory_space<vmem>>, vector<1x256xf32>
      %mul3A_50 = vector.broadcast %get3A_49 : vector<1x256xf32> to vector<2000x256xf32>
      %mul3A_51 = arith.mulf %mul3A_46, %mul3A_50 : vector<2000x256xf32>
      %get3A_52 = arith.constant 0 : index
      %get3A_53 = arith.constant 0 : index
      %get3A_54 = vector.load %arg8[%get3A_52, %get3A_53] : memref<1x256xf32, #tpu.memory_space<vmem>>, vector<1x256xf32>
      %add3A_55 = vector.broadcast %get3A_54 : vector<1x256xf32> to vector<2000x256xf32>
      %add3A_56 = arith.addf %mul3A_51, %add3A_55 : vector<2000x256xf32>
      %get3A_57 = arith.constant 0 : index
      %get3A_58 = arith.constant 0 : index
      %get3A_59 = vector.load %arg5[%get3A_57, %get3A_58] : memref<2000x256xf32, #tpu.memory_space<vmem>>, vector<2000x256xf32>
      %max3A = arith.constant 0.000000e+00 : f32
      %max3A_60 = vector.broadcast %max3A : f32 to vector<2000x256xf32>
      %max3A_61 = arith.maximumf %add3A_56, %max3A_60 : vector<2000x256xf32>
      %add3A_62 = arith.addf %get3A_59, %max3A_61 : vector<2000x256xf32>
      %swap3A = arith.constant 0 : index
      %swap3A_63 = arith.constant 0 : index
      %swap3A_64 = vector.load %arg9[%swap3A, %swap3A_63] : memref<2000x256xf32, #tpu.memory_space<vmem>>, vector<2000x256xf32>
      tpu.vector_store %arg9[%swap3A, %swap3A_63], %add3A_62 {strides = array<i32>} : memref<2000x256xf32, #tpu.memory_space<vmem>>, vector<2000x256xf32>,
    } else {
    }
    return
  }
  func.func @transform_0(%arg0: i32, %arg1: i32) -> (i32, i32) {
    %c0_i32 = arith.constant 0 : i32
    %c0_i32_0 = arith.constant 0 : i32
    return %arg1, %c0_i32 : i32, i32
  }
  func.func @transform_1(%arg0: i32, %arg1: i32) -> (i32, i32) {
    %c0_i32 = arith.constant 0 : i32
    %c0_i32_0 = arith.constant 0 : i32
    return %arg1, %c0_i32 : i32, i32
  }
  func.func @transform_2(%arg0: i32, %arg1: i32) -> (i32, i32) {
    %c0_i32 = arith.constant 0 : i32
    %c0_i32_0 = arith.constant 0 : i32
    return %arg1, %c0_i32 : i32, i32
  }
  func.func @transform_3(%arg0: i32, %arg1: i32) -> (i32, i32) {
    %mul3A = arith.muli %arg1, %arg0 : i32
    %c0_i32 = arith.constant 0 : i32
    %c0_i32_0 = arith.constant 0 : i32
    return %mul3A, %c0_i32 : i32, i32
  }
  func.func @transform_4(%arg0: i32, %arg1: i32) -> (i32, i32) {
    %c0_i32 = arith.constant 0 : i32
    %c0_i32_0 = arith.constant 0 : i32
    %c0_i32_1 = arith.constant 0 : i32
    return %c0_i32, %c0_i32_0 : i32, i32
  }
  func.func @transform_5(%arg0: i32, %arg1: i32) -> (i32, i32) {
    %c0_i32 = arith.constant 0 : i32
    %c0_i32_0 = arith.constant 0 : i32
    %c0_i32_1 = arith.constant 0 : i32
    return %c0_i32, %c0_i32_0 : i32, i32
  }
  func.func @transform_6(%arg0: i32, %arg1: i32) -> (i32, i32) {
    %c0_i32 = arith.constant 0 : i32
    %c0_i32_0 = arith.constant 0 : i32
    %c0_i32_1 = arith.constant 0 : i32
    return %c0_i32, %c0_i32_0 : i32, i32
  }
  func.func @transform_7(%arg0: i32, %arg1: i32) -> (i32, i32) {
    %mul3A = arith.muli %arg1, %arg0 : i32
    %c0_i32 = arith.constant 0 : i32
    %c0_i32_0 = arith.constant 0 : i32
    return %mul3A, %c0_i32 : i32, i32
  }
}

</mosaic_0001>

<sc_bundles>
// kernel: kernel.6.cloned.1.call-start
scs
__scs_entry_jumppad:
0x0: {  	(pc) =	sbr.rel $0x88, $3  }
0x1: {  	(tag) =	ssettag $0x0;
	lr =	simm.s32 $0x1  }
0x2: {  	[smem:$0x3F9B] =	sst lr;
	_ =	strace $0xD0000000  }
0x3: {  	_ = 	snop  }
0x4: {  	_ = 	snop  }
0x5: {  	_ = 	snop  }
0x6: {  	_ = 	snop  }
0x7: {  	_ = 	snop  }
__scs_overlays_trampoline_lowered:
0x8: {  	[smem:$0x3FAA] =	sst s0  }
0x9: {  	[smem:$0x3FAB] =	sst s1  }
0xa: {  	[smem:$0x3FAC] =	sst s2  }
0xb: {  	[smem:$0x3FAD] =	sst s3  }
0xc: {  	[smem:$0x3FAE] =	sst s4  }
0xd: {  	[smem:$0x3FAF] =	sst s5  }
0xe: {  	[smem:$0x3FB0] =	sst s6  }
0xf: {  	[smem:$0x3FB1] =	sst s7  }
0x10: {  	[smem:$0x3FB2] =	sst s8  }
0x11: {  	[smem:$0x3FB3] =	sst s9;
	s0 =	simm.s32 @!p0 $0x0  }
0x12: {  	s1 =	sld [smem:$0x3F99];
	s0 =	simm.s32 @p0 $0x1  }
0x13: {  	[smem:$0x3FB4] =	sst s0;
	s0 =	simm.s32 @!p1 $0x0  }
0x14: {  	s2 =	sld [smem:$0x3F98];
	s0 =	simm.s32 @p1 $0x1  }
0x15: {  	[smem:$0x3FB5] =	sst s0;
	s0 =	simm.s32 @!p2 $0x0  }
0x16: {  	s3 =	sld [smem:$0x3FDB];
	s0 =	simm.s32 @p2 $0x1  }
0x17: {  	s4 =	simm.s32 $0x1BF5;
	[smem:$0x3FB7] =	sst s0  }
0x18: {  	s0 =	sld [smem:$0x3F9A];
	_ =	swait.ge [sflag:s4], $0x0  }
0x19: {  	s7 =	sld [smem:$0x3F9B]  }
0x1a: {  	s8 =	sadd.s32 $0xFFFFE003, lr  }
0x1b: {  	s9 =	sadd.s32 $0xFFFFFEF7, lr;
	s5 =	simm.s32 $0xFFFFFFFF;
	p2 =	slt.u32 s8, $0xFFFFF086  }
0x1c: {  	p1 =	slt.u32 s9, $0xF7A;
	s5 =	simm.s32 @!p2 $0x0  }
0x1d: {  	s5 =	simm.s32 @p1 $0x1;
	p0 =	seq.s32 s7, s2  }
0x1e: {  	s7 =	smul.u32 @!p0 $0xF7A, s2;
	p2 =	seq.s32 @!p0 s5, $0x0  }
0x1f: {  	s9 =	smul.u32 $0xF7A, s1;
	s8 =	simm.s32 @!p0 $0x1BF5;
	p2 =	por !p2, p0  }
0x20: {  	[sflag:s8] =	ssyncset.s32 @!p0 $0xFFFFF086;
	s6 =	sadd.s32 @!p0 s3, s7;
	s7 =	simm.s32 @!p0 $0x108  }
0x21: {  	s3 =	sadd.s32 s3, s9;
	s6 =	sadd.s32 @!p0 $0x88, s6;
	s7 =	simm.s32 @p2 $0x1082  }
0x22: {  	[simem:s7], [sflag:s8] =	dma.local @!p0 [hbm:s6], $0xF7A  }
0x23: {  	s9 =	sor.u32 $0xD0000000, s2;
	s6 =	simm.s32 $0x108;
	_ =	swait.ge @!p0 [sflag:s8], $0x0  }
0x24: {  	s3 =	sadd.s32 $0x88, s3;
	s6 =	simm.s32 @!p1 $0x1082;
	[sflag:s4] =	ssyncset.s32 $0xFFFFF086  }
0x25: {  	[simem:s6], [sflag:s4] =	dma.local [hbm:s3], $0xF7A  }
0x26: {  	[smem:$0x3F9B] =	sst s1;
	(tag) =	ssettag s2;
	_ =	strace s9  }
0x27: {  	s1 =	sld [smem:$0x3FAB]  }
0x28: {  	s2 =	sld [smem:$0x3FAC]  }
0x29: {  	s4 =	sld [smem:$0x3FAE]  }
0x2a: {  	p0 =	seq.s32 s5, $0x0;
	s5 =	sld [smem:$0x3FAF]  }
0x2b: {  	s6 =	sld [smem:$0x3FB0]  }
0x2c: {  	s7 =	sld [smem:$0x3FB1]  }
0x2d: {  	s3 =	simm.s32 $0x108;
	s8 =	sld [smem:$0x3FB2]  }
0x2e: {  	s3 =	simm.s32 @!p0 $0x1082;
	s9 =	sld [smem:$0x3FB3]  }
0x2f: {  	lr =	sadd.s32 s0, s3;
	s0 =	sld [smem:$0x3FAA]  }
0x30: {  	s3 =	sld [smem:$0x3FAD]  }
0x31: {  	[smem:$0x3FB6] =	sst s10  }
0x32: {  	s10 =	sld [smem:$0x3FB4];
	_ =	sdelay $0x3  }
0x33: {  	p0 =	seq.s32 s10, $0x1;
	s10 =	sld [smem:$0x3FB6];
	_ =	sdelay $0x3  }
0x34: {  	[smem:$0x3FB6] =	sst s10  }
0x35: {  	s10 =	sld [smem:$0x3FB5];
	_ =	sdelay $0x3  }
0x36: {  	p1 =	seq.s32 s10, $0x1;
	s10 =	sld [smem:$0x3FB6];
	_ =	sdelay $0x3  }
0x37: {  	[smem:$0x3FB6] =	sst s10  }
0x38: {  	s10 =	sld [smem:$0x3FB7]  }
0x39: {  	_ = 	snop;
	(pc) =	sbr.ind lr, $3  }
0x3a: {  	_ = 	snop  }
0x3b: {  	_ = 	snop  }
0x3c: {  	p2 =	seq.s32 s10, $0x1;
	s10 =	sld [smem:$0x3FB6]  }
0x3d: {  	_ =	shalt  }
0x3e: {  	_ =	shalt  }
0x3f: {  	_ =	shalt  }
0x40: {  	_ =	shalt  }
0x41: {  	_ =	shalt  }
0x42: {  	_ =	shalt  }
0x43: {  	_ =	shalt  }
0x44: {  	_ =	shalt  }
0x45: {  	_ =	shalt  }
0x46: {  	_ =	shalt  }
0x47: {  	_ =	shalt  }
0x48: {  	_ =	shalt  }
0x49: {  	_ =	shalt  }
0x4a: {  	_ =	shalt  }
0x4b: {  	_ =	shalt  }
0x4c: {  	_ =	shalt  }
0x4d: {  	_ =	shalt  }
0x4e: {  	_ =	shalt  }
0x4f: {  	_ =	shalt  }
0x50: {  	_ =	shalt  }
0x51: {  	_ =	shalt  }
0x52: {  	_ =	shalt  }
0x53: {  	_ =	shalt  }
0x54: {  	_ =	shalt  }
0x55: {  	_ =	shalt  }
0x56: {  	_ =	shalt  }
0x57: {  	_ =	shalt  }
0x58: {  	_ =	shalt  }
0x59: {  	_ =	shalt  }
0x5a: {  	_ =	shalt  }
0x5b: {  	_ =	shalt  }
0x5c: {  	_ =	shalt  }
0x5d: {  	_ =	shalt  }
0x5e: {  	_ =	shalt  }
0x5f: {  	_ =	shalt  }
0x60: {  	_ =	shalt  }
0x61: {  	_ =	shalt  }
0x62: {  	_ =	shalt  }
0x63: {  	_ =	shalt  }
0x64: {  	_ =	shalt  }
0x65: {  	_ =	shalt  }
0x66: {  	_ =	shalt  }
0x67: {  	_ =	shalt  }
0x68: {  	_ =	shalt  }
0x69: {  	_ =	shalt  }
0x6a: {  	_ =	shalt  }
0x6b: {  	_ =	shalt  }
0x6c: {  	_ =	shalt  }
0x6d: {  	_ =	shalt  }
0x6e: {  	_ =	shalt  }
0x6f: {  	_ =	shalt  }
0x70: {  	_ =	shalt  }
0x71: {  	_ =	shalt  }
0x72: {  	_ =	shalt  }
0x73: {  	_ =	shalt  }
0x74: {  	_ =	shalt  }
0x75: {  	_ =	shalt  }
0x76: {  	_ =	shalt  }
0x77: {  	_ =	shalt  }
0x78: {  	_ =	shalt  }
0x79: {  	_ =	shalt  }
0x7a: {  	_ =	shalt  }
0x7b: {  	_ =	shalt  }
0x7c: {  	_ =	shalt  }
0x7d: {  	_ =	shalt  }
0x7e: {  	_ =	shalt  }
0x7f: {  	_ =	shalt  }
0x80: {  	_ =	shalt  }
0x81: {  	_ =	shalt  }
0x82: {  	_ =	shalt  }
0x83: {  	_ =	shalt  }
0x84: {  	_ =	shalt  }
0x85: {  	_ =	shalt  }
0x86: {  	_ =	shalt  }
0x87: {  	_ =	shalt  }
.Lfunc_end0:
.L_simem_size_0:
called_computation_lowered:
.L_overlay_start_0:
0x88: {  	s2 =	sld [smem:$0x3FD9]  }
0x89: {  	s3 =	sld [smem:$0x3FFE];
	_ =	sdelay $0x1  }
0x8a: {  	s1 =	srdreg.scid  }
0x8b: {  	s0 =	sand.u32 $0x1, s1  }
0x8c: {  	s17 =	sshll.u32 s0, $0xA;
	s2 =	sadd.s32 s3, s2  }
0x8d: {  	s2 =	sadd.s32 s2, s17  }
0x8e: {  	[smem:$0x3FC2] =	sst s2  }
0x8f: {  	_ = 	snop  }
0x90: {  	s2 =	sld [smem:$0x3FD0];
	(tm) =	ssettm $0x1  }
0x91: {  	s18 =	sld [smem:$0x3FFB];
	_ =	sdelay $0x3  }
0x92: {  	_ =	strace s18  }
0x93: {  	s3 =	sld [smem:$0x3FFC];
	_ =	sdelay $0x3  }
0x94: {  	_ =	strace s3  }
0x95: {  	s3 =	sld [smem:$0x3FFD];
	_ =	sdelay $0x3  }
0x96: {  	_ =	strace s3  }
0x97: {  	_ =	strace $0x8FFFFFFF  }
0x98: {  	s19 =	sld [smem:$0x3FDB];
	_ =	sdelay $0x1  }
0x99: {  	s4 =	simm.s32 $_scs_section_size  }
0x9a: {  	s5 =	simm.s32 $_size__tile_overlayer_lowered;
	s6 =	simm.s32 $_tile_overlayer_lowered  }
0x9b: {  	s22 =	simm.s32 $0x1BFF;
	s21 =	sshll.u32 s6, $0x1;
	s3 =	sadd.s32 s4, s19  }
0x9c: {  	s7 =	simm.s32 $0x0;
	s20 =	sshll.u32 s5, $0x1;
	s5 =	sadd.s32 s21, s3  }
0x9d: {  	[timem:s7], [sflag:s22] =	dma.local [hbm:s5], s20  }
0x9e: {  	_ =	swait.ge [sflag:s22], s20  }
0x9f: {  	s4 =	ssub.s32 $0x0, s20;
	[sflag:s22] =	ssyncset.done $0x0  }
0xa0: {  	[sflag:s22] =	ssyncadd.s32 s4;
	_ =	sdelay $0x1  }
0xa1: {  	s23 =	simm.s32 $0x1B8B  }
0xa2: {  	_ =	swait.ge [sflag:s23], $0x1  }
0xa3: {  	[sflag:s23] =	ssyncset.done $0x0  }
0xa4: {  	s25 =	simm.s32 $0x1B8E;
	s24 =	sld [smem:$0x3FFE];
	[sflag:s23] =	ssyncadd.s32 $0xFFFFFFFF  }
0xa5: {  	s26 =	simm.s32 $execute0_lowered;
	[smem:$0x3FD2] =	sst s25  }
0xa6: {  	s5 =	sshll.u32 s26, $0x1;
	_ =	strace $0x80000046;
	[dreg:$0x1] =	wrdreg $0xFFFFFFFF  }
0xa7: {  	s28 =	simm.s32 $_size_execute0_lowered;
	s3 =	sadd.s32 s3, s5;
	[dreg:$0x0] =	wrdreg $0x0  }
0xa8: {  	s5 =	sshll.u32 s28, $0x1;
	[dreg:$0x2] =	wrdreg s3  }
0xa9: {  	[dreg:$0x3] =	wrdreg s5  }
0xaa: {  	[dreg:$0x4] =	wrdreg $0xC0  }
0xab: {  	_ =	task [dreg:s7], $0x5FFFF  }
0xac: {  	[dreg:$0x1] =	wrdreg $0xFFFFFFFF  }
0xad: {  	[dreg:$0x0] =	wrdreg $0x60  }
0xae: {  	[dreg:$0x2] =	wrdreg s24  }
0xaf: {  	[dreg:$0x3] =	wrdreg s2  }
0xb0: {  	[dreg:$0x4] =	wrdreg $0x41000  }
0xb1: {  	[dreg:$0x5] =	wrdreg $0x9  }
0xb2: {  	_ =	task.clear_ibuf [dreg:s7], $0x6FFFF;
	_ =	strace $0x90000046  }
0xb3: {  	s29 =	simm.s32 $0x9;
	_ =	strace $0x80000048  }
0xb4: {  	_ =	swait.ge [sflag:s29], $0x1  }
0xb5: {  	[sflag:s29] =	ssyncadd.s32 $0xFFFFFFFF  }
0xb6: {  	_ =	strace $0x90000048  }
0xb7: {  	_ =	sfence  }
0xb8: {  	s30 =	sld [smem:$0x0];
	_ =	sdelay $0x2  }
0xb9: {  	s31 =	sshll.u32 s1, $0xD;
	s1 =	sshrl.u32 s1, $0x2  }
0xba: {  	s3 =	sand.u32 $0x4000, s31;
	s1 =	sadd.s32 s1, s30  }
0xbb: {  	s0 =	sor.u32 s3, s0;
	s1 =	sshll.u32 s1, $0x11  }
0xbc: {  	s0 =	sor.u32 s1, s0  }
0xbd: {  	s0 =	sadd.s32 $0x8F2B, s0  }
0xbe: {  	[sflag:s0] =	ssyncadd.remote.s32 $0x1  }
0xbf: {  	_ =	sfence.sel $0xFFFF  }
0xc0: {  	[dreg:$0x0] =	wrdreg $0xFFFFFFFF;
	(pc) =	sbr.abs _section_cstart, $3  }
0xc1: {  	[dreg:$0x1] =	wrdreg $0xFFFFFFFF  }
0xc2: {  	_ =	task.clear_ibuf [dreg:s7], $0x2FFFF;
	_ =	strace $0x9FFFFFFF  }
0xc3: {  	(tm) =	ssettm $0x7FFFFFFF  }
tec
execute0_lowered:
.L_overlay_start_1:
0x0: {  	(tag) =	ssettag $0x1  }
0x1: {  	s6 =	rddreg [dreg:$0x0]  }
0x2: {  	s9 =	rddreg [dreg:$0x1]  }
0x3: {  	s1 =	rddreg [dreg:$0x2];
	s2 =	srdreg.scid  }
0x4: {  	s0 =	rddreg [dreg:$0x3];
	s3 =	simm.s32 $0x0;
	s18 =	simm.s32 $0x2  }
0x5: {  	s19 =	simm.s32 $0x0;
	s8 =	sand.u32 $0x1, s2;
	s2 =	stileid.u32  }
0x6: {  	[smem:$0x7FF] =	sst s3;
	s11 =	sadd.s32 $0x1C00, s6;
	s13 =	smul.u32 $0x50000, s2  }
0x7: {  	s5 =	sadd.s32 $0x7400, s6;
	s10 =	sadd.s32 $0x9C00, s6;
	s15 =	smul.u32 $0x14000, s8  }
0x8: {  	s4 =	sshll.u32 s8, $0x4;
	_ =	strace $0x80000047;
	s16 =	smul.u32 $0x1400, s2  }
0x9: {  	s12 =	ssub.s32 $0x2, s8;
	p0 =	seq.s32 s8, $0x1;
	s25 =	smul.u32 $0x2800, s2  }
0xa: {  	s31 =	sshll.u32 s2, $0x6;
	s7 =	sor.u32 s2, s4;
	s4 =	sadd.s32 $0x6C00, s6  }
0xb: {  	s14 =	sshrl.u32 s12, $0x1;
	s9 =	smov.u32 @p0 s10;
	s7 =	smul.u32 $0x1400, s7  }
0xc: {  	s13 =	sshrl.u32 s13, $0x2;
	s12 =	ssub.s32 s12, s14;
	s26 =	sadd.s32 s16, s15  }
0xd: {  	s9 =	sadd.s32 s9, s25;
	s15 =	sor.u32 $0x1C03, s31;
	s17 =	sadd.s32 s13, s1  }
0xe: {  	s8 =	smax.u32 s12, $0x1;
	s28 =	sor.u32 $0x180, s26;
	s14 =	sor.u32 $0x100, s26  }
0xf: {  	s12 =	simm.s32 $0x100;
	s13 =	simm.s32 $0x3;
	s24 =	sshrl.u32 s7, $0x3  }
0x10: {  	s29 =	sshrl.u32 s28, $0x3;
	s30 =	sshrl.u32 s14, $0x3;
	s14 =	simm.s32 $0x80  }
0x11: {  	s16 =	sshrl.u32 s17, $0x3;
	s17 =	simm.s32 $0x1;
	s6 =	sadd.s32 s11, s24  }
0x12: {  	s10 =	sadd.s32 s29, s11;
	s11 =	sadd.s32 s30, s11;
	s7 =	sadd.s32 $0x10, s6  }
.LBB2_1:
0x13: {  	[tilespmem:s12], [sflag:$0x3] =	stream.linear.gather [hbm4b:s4+s3], $0x4000, $0x38;
	[tilespmem:$0x18100] =	vst v63  }
0x14: {  	_ =	swait.ge [sflag:s13], $0x4000  }
0x15: {  	[sflag:s13] =	ssyncset.done $0x0  }
0x16: {  	[sflag:s13] =	ssyncadd.s32 $0xFFFFC000  }
0x17: {  	[tilespmem:s3], [sflag:$0x1] =	stream.linear.gather [hbm4b:s6+s3], $0x80, $0x38;
	[tilespmem:$0x18100] =	vst v63  }
0x18: {  	_ = 	snop  }
0x19: {  	[tilespmem:s14], [sflag:$0x2] =	stream.linear.gather [hbm4b:s7+s3], $0x80, $0x38;
	[tilespmem:$0x18100] =	vst v63  }
0x1a: {  	[spmem:s16], [sflag:s15] =	dma.local [hbm:s5], $0x2800  }
0x1b: {  	_ =	swait.ge [sflag:s13], $0x2800  }
0x1c: {  	[sflag:s13] =	ssyncset.done $0x0  }
0x1d: {  	[sflag:s13] =	ssyncadd.s32 $0xFFFFD800  }
0x1e: {  	[bflag:$0x0] =	sbarrier.arrive $0xFFFF  }
0x1f: {  	_ =	swait.ge [sflag:s17], $0x80  }
0x20: {  	[sflag:s17] =	ssyncset.done $0x0  }
0x21: {  	[sflag:s17] =	ssyncadd.s32 $0xFFFFFF80  }
0x22: {  	[spmem:s1] =	stream.indirect.scatter.add.f32 [tilespmem:s12], [sflag:$0x3], $0x80, s3, s14, $0xb8;
	[tilespmem:$0x18100] =	vst v63  }
0x23: {  	_ =	swait.ge [sflag:s13], $0x4000  }
0x24: {  	[sflag:s13] =	ssyncset.done $0x0  }
0x25: {  	s20 =	sadd.s32 $0x0, s11;
	[sflag:s13] =	ssyncadd.s32 $0xFFFFC000  }
0x26: {  	[tilespmem:s3], [sflag:$0x1] =	stream.linear.gather [hbm4b:s20+s3], $0x80, $0x38;
	[tilespmem:$0x18100] =	vst v63  }
0x27: {  	_ =	swait.ge [sflag:s18], $0x80  }
0x28: {  	[sflag:s18] =	ssyncset.done $0x0  }
0x29: {  	[sflag:s18] =	ssyncadd.s32 $0xFFFFFF80  }
0x2a: {  	[spmem:s1] =	stream.indirect.scatter.add.f32 [tilespmem:s12], [sflag:$0x3], $0x80, s14, s14, $0xb8;
	[tilespmem:$0x18100] =	vst v63  }
0x2b: {  	_ =	swait.ge [sflag:s13], $0x4000  }
0x2c: {  	[sflag:s13] =	ssyncset.done $0x0  }
0x2d: {  	s21 =	sadd.s32 $0x0, s10;
	s20 =	simm.s32 $0x20;
	[sflag:s13] =	ssyncadd.s32 $0xFFFFC000  }
.LBB2_2:
0x2e: {  	[tilespmem:s14], [sflag:$0x2] =	stream.linear.gather [hbm4b:s21+s3], $0x80, $0x38;
	[tilespmem:$0x18100] =	vst v63  }
0x2f: {  	s21 =	smov.u32 s20  }
0x30: {  	p0 =	sne.s32 s20, $0x240;
	s20 =	sadd.s32 $0x20, s20;
	_ =	swait.ge [sflag:s17], $0x80  }
0x31: {  	[sflag:s17] =	ssyncset.done $0x0  }
0x32: {  	[sflag:s17] =	ssyncadd.s32 $0xFFFFFF80  }
0x33: {  	[spmem:s1] =	stream.indirect.scatter.add.f32 [tilespmem:s12], [sflag:$0x3], $0x80, s3, s14, $0xb8;
	[tilespmem:$0x18100] =	vst v63  }
0x34: {  	_ =	swait.ge [sflag:s13], $0x4000  }
0x35: {  	[sflag:s13] =	ssyncset.done $0x0  }
0x36: {  	s22 =	sadd.s32 s21, s11;
	[sflag:s13] =	ssyncadd.s32 $0xFFFFC000  }
0x37: {  	[tilespmem:s3], [sflag:$0x1] =	stream.linear.gather [hbm4b:s22+s3], $0x80, $0x38;
	[tilespmem:$0x18100] =	vst v63  }
0x38: {  	_ =	swait.ge [sflag:s18], $0x80  }
0x39: {  	[sflag:s18] =	ssyncset.done $0x0  }
.Ltmp0:
0x3a: {  	[sflag:s18] =	ssyncadd.s32 $0xFFFFFF80;
	(pc) =	sbr.rel @p0 .LBB2_2-.Ltmp0, $4  }
0x3b: {  	[spmem:s1] =	stream.indirect.scatter.add.f32 [tilespmem:s12], [sflag:$0x3], $0x80, s14, s14, $0xb8;
	[tilespmem:$0x18100] =	vst v63  }
0x3c: {  	_ =	swait.ge [sflag:s13], $0x4000  }
0x3d: {  	[sflag:s13] =	ssyncset.done $0x0  }
0x3e: {  	s21 =	sadd.s32 s21, s10;
	[sflag:s13] =	ssyncadd.s32 $0xFFFFC000  }
0x3f: {  	[tilespmem:s14], [sflag:$0x2] =	stream.linear.gather [hbm4b:s21+s3], $0x80, $0x38;
	[tilespmem:$0x18100] =	vst v63  }
0x40: {  	_ =	swait.ge [sflag:s17], $0x80  }
0x41: {  	[sflag:s17] =	ssyncset.done $0x0  }
0x42: {  	[sflag:s17] =	ssyncadd.s32 $0xFFFFFF80  }
0x43: {  	[spmem:s1] =	stream.indirect.scatter.add.f32 [tilespmem:s12], [sflag:$0x3], $0x80, s3, s14, $0xb8;
	[tilespmem:$0x18100] =	vst v63  }
0x44: {  	_ =	swait.ge [sflag:s13], $0x4000  }
0x45: {  	[sflag:s13] =	ssyncset.done $0x0  }
0x46: {  	[sflag:s13] =	ssyncadd.s32 $0xFFFFC000  }
0x47: {  	_ =	swait.ge [sflag:s18], $0x80  }
0x48: {  	[sflag:s18] =	ssyncset.done $0x0  }
0x49: {  	[sflag:s18] =	ssyncadd.s32 $0xFFFFFF80  }
0x4a: {  	[spmem:s1] =	stream.indirect.scatter.add.f32 [tilespmem:s12], [sflag:$0x3], $0x80, s14, s14, $0xb8;
	[tilespmem:$0x18100] =	vst v63  }
0x4b: {  	_ =	swait.ge [sflag:s13], $0x4000  }
0x4c: {  	s19 =	sadd.s32 $0x1, s19;
	[sflag:s13] =	ssyncset.done $0x0  }
0x4d: {  	p0 =	sne.s32 s19, s8;
	[sflag:s13] =	ssyncadd.s32 $0xFFFFC000  }
.Ltmp1:
0x4e: {  	[bflag:$0x0] =	sbarrier.arrive $0xFFFF;
	(pc) =	sbr.rel @p0 .LBB2_1-.Ltmp1, $4  }
0x4f: {  	[hbm:s9], [sflag:s15] =	dma.local [spmem:s16], $0x2800  }
0x50: {  	_ =	swait.ge [sflag:s13], $0x2800  }
0x51: {  	[sflag:s13] =	ssyncset.done $0x0  }
0x52: {  	[sflag:s13] =	ssyncadd.s32 $0xFFFFD800  }
0x53: {  	_ =	sfence.sel $0x180000  }
0x54: {  	[bflag:$0x0] =	sbarrier.arrive $0xFFFF  }
0x55: {  	p0 =	sne.s32 s2, $0x0;
	_ =	strace $0x90000047  }
0x56: {  	s0 =	sadd.s32 @!p0 $0x100000, s0;
	[bflag:$0x2] =	sbarrier.arrive $0xFFFF  }
0x57: {  	[sflag:s0] =	ssyncadd.tile.s32 @!p0 $0x1;
	_ =	shalt  }
.Lfunc_end2:
_tile_overlayer_lowered:
.L_overlay_start_2:
0x58: {  	(tag) =	ssettag $0x2  }
0x59: {  	s0 =	rddreg [dreg:$0x0];
	s2 =	stileid.u32  }
0x5a: {  	s1 =	rddreg [dreg:$0x1];
	p0 =	sne.s32 s2, $0x0  }
0x5b: {  	s3 =	rddreg [dreg:$0x2];
	[bflag:$0x3] =	sbarrier.arrive $0xFFFF;
	s2 =	simm.s32 @!p0 $0x1C03  }
0x5c: {  	[timem:s3], [sflag:s2] =	dma.local @!p0 [hbm:s0], s1  }
0x5d: {  	s0 =	simm.s32 @!p0 $0x3  }
0x5e: {  	_ =	swait.ge @!p0 [sflag:s0], s1  }
0x5f: {  	s1 =	ssub.s32 @!p0 $0x0, s1;
	[sflag:s0] =	ssyncset.done @!p0 $0x0  }
0x60: {  	[sflag:s0] =	ssyncadd.s32 @!p0 s1  }
0x61: {  	[bflag:$0x3] =	sbarrier.arrive $0xFFFF  }
0x62: {  	_ =	shalt  }

// kernel: kernel.9.cloned.1.call-start
scs
__scs_entry_jumppad:
0x0: {  	(pc) =	sbr.rel $0x88, $3  }
0x1: {  	(tag) =	ssettag $0x0;
	lr =	simm.s32 $0x1  }
0x2: {  	[smem:$0x3F9B] =	sst lr;
	_ =	strace $0xD0000000  }
0x3: {  	_ = 	snop  }
0x4: {  	_ = 	snop  }
0x5: {  	_ = 	snop  }
0x6: {  	_ = 	snop  }
0x7: {  	_ = 	snop  }
__scs_overlays_trampoline_lowered:
0x8: {  	[smem:$0x3FAA] =	sst s0  }
0x9: {  	[smem:$0x3FAB] =	sst s1  }
0xa: {  	[smem:$0x3FAC] =	sst s2  }
0xb: {  	[smem:$0x3FAD] =	sst s3  }
0xc: {  	[smem:$0x3FAE] =	sst s4  }
0xd: {  	[smem:$0x3FAF] =	sst s5  }
0xe: {  	[smem:$0x3FB0] =	sst s6  }
0xf: {  	[smem:$0x3FB1] =	sst s7  }
0x10: {  	[smem:$0x3FB2] =	sst s8  }
0x11: {  	[smem:$0x3FB3] =	sst s9;
	s0 =	simm.s32 @!p0 $0x0  }
0x12: {  	s1 =	sld [smem:$0x3F99];
	s0 =	simm.s32 @p0 $0x1  }
0x13: {  	[smem:$0x3FB4] =	sst s0;
	s0 =	simm.s32 @!p1 $0x0  }
0x14: {  	s2 =	sld [smem:$0x3F98];
	s0 =	simm.s32 @p1 $0x1  }
0x15: {  	[smem:$0x3FB5] =	sst s0;
	s0 =	simm.s32 @!p2 $0x0  }
0x16: {  	s3 =	sld [smem:$0x3FDB];
	s0 =	simm.s32 @p2 $0x1  }
0x17: {  	s4 =	simm.s32 $0x1BF5;
	[smem:$0x3FB7] =	sst s0  }
0x18: {  	s0 =	sld [smem:$0x3F9A];
	_ =	swait.ge [sflag:s4], $0x0  }
0x19: {  	s7 =	sld [smem:$0x3F9B]  }
0x1a: {  	s8 =	sadd.s32 $0xFFFFE003, lr  }
0x1b: {  	s9 =	sadd.s32 $0xFFFFFEF7, lr;
	s5 =	simm.s32 $0xFFFFFFFF;
	p2 =	slt.u32 s8, $0xFFFFF086  }
0x1c: {  	p1 =	slt.u32 s9, $0xF7A;
	s5 =	simm.s32 @!p2 $0x0  }
0x1d: {  	s5 =	simm.s32 @p1 $0x1;
	p0 =	seq.s32 s7, s2  }
0x1e: {  	s7 =	smul.u32 @!p0 $0xF7A, s2;
	p2 =	seq.s32 @!p0 s5, $0x0  }
0x1f: {  	s9 =	smul.u32 $0xF7A, s1;
	s8 =	simm.s32 @!p0 $0x1BF5;
	p2 =	por !p2, p0  }
0x20: {  	[sflag:s8] =	ssyncset.s32 @!p0 $0xFFFFF086;
	s6 =	sadd.s32 @!p0 s3, s7;
	s7 =	simm.s32 @!p0 $0x108  }
0x21: {  	s3 =	sadd.s32 s3, s9;
	s6 =	sadd.s32 @!p0 $0x88, s6;
	s7 =	simm.s32 @p2 $0x1082  }
0x22: {  	[simem:s7], [sflag:s8] =	dma.local @!p0 [hbm:s6], $0xF7A  }
0x23: {  	s9 =	sor.u32 $0xD0000000, s2;
	s6 =	simm.s32 $0x108;
	_ =	swait.ge @!p0 [sflag:s8], $0x0  }
0x24: {  	s3 =	sadd.s32 $0x88, s3;
	s6 =	simm.s32 @!p1 $0x1082;
	[sflag:s4] =	ssyncset.s32 $0xFFFFF086  }
0x25: {  	[simem:s6], [sflag:s4] =	dma.local [hbm:s3], $0xF7A  }
0x26: {  	[smem:$0x3F9B] =	sst s1;
	(tag) =	ssettag s2;
	_ =	strace s9  }
0x27: {  	s1 =	sld [smem:$0x3FAB]  }
0x28: {  	s2 =	sld [smem:$0x3FAC]  }
0x29: {  	s4 =	sld [smem:$0x3FAE]  }
0x2a: {  	p0 =	seq.s32 s5, $0x0;
	s5 =	sld [smem:$0x3FAF]  }
0x2b: {  	s6 =	sld [smem:$0x3FB0]  }
0x2c: {  	s7 =	sld [smem:$0x3FB1]  }
0x2d: {  	s3 =	simm.s32 $0x108;
	s8 =	sld [smem:$0x3FB2]  }
0x2e: {  	s3 =	simm.s32 @!p0 $0x1082;
	s9 =	sld [smem:$0x3FB3]  }
0x2f: {  	lr =	sadd.s32 s0, s3;
	s0 =	sld [smem:$0x3FAA]  }
0x30: {  	s3 =	sld [smem:$0x3FAD]  }
0x31: {  	[smem:$0x3FB6] =	sst s10  }
0x32: {  	s10 =	sld [smem:$0x3FB4];
	_ =	sdelay $0x3  }
0x33: {  	p0 =	seq.s32 s10, $0x1;
	s10 =	sld [smem:$0x3FB6];
	_ =	sdelay $0x3  }
0x34: {  	[smem:$0x3FB6] =	sst s10  }
0x35: {  	s10 =	sld [smem:$0x3FB5];
	_ =	sdelay $0x3  }
0x36: {  	p1 =	seq.s32 s10, $0x1;
	s10 =	sld [smem:$0x3FB6];
	_ =	sdelay $0x3  }
0x37: {  	[smem:$0x3FB6] =	sst s10  }
0x38: {  	s10 =	sld [smem:$0x3FB7]  }
0x39: {  	_ = 	snop;
	(pc) =	sbr.ind lr, $3  }
0x3a: {  	_ = 	snop  }
0x3b: {  	_ = 	snop  }
0x3c: {  	p2 =	seq.s32 s10, $0x1;
	s10 =	sld [smem:$0x3FB6]  }
0x3d: {  	_ =	shalt  }
0x3e: {  	_ =	shalt  }
0x3f: {  	_ =	shalt  }
0x40: {  	_ =	shalt  }
0x41: {  	_ =	shalt  }
0x42: {  	_ =	shalt  }
0x43: {  	_ =	shalt  }
0x44: {  	_ =	shalt  }
0x45: {  	_ =	shalt  }
0x46: {  	_ =	shalt  }
0x47: {  	_ =	shalt  }
0x48: {  	_ =	shalt  }
0x49: {  	_ =	shalt  }
0x4a: {  	_ =	shalt  }
0x4b: {  	_ =	shalt  }
0x4c: {  	_ =	shalt  }
0x4d: {  	_ =	shalt  }
0x4e: {  	_ =	shalt  }
0x4f: {  	_ =	shalt  }
0x50: {  	_ =	shalt  }
0x51: {  	_ =	shalt  }
0x52: {  	_ =	shalt  }
0x53: {  	_ =	shalt  }
0x54: {  	_ =	shalt  }
0x55: {  	_ =	shalt  }
0x56: {  	_ =	shalt  }
0x57: {  	_ =	shalt  }
0x58: {  	_ =	shalt  }
0x59: {  	_ =	shalt  }
0x5a: {  	_ =	shalt  }
0x5b: {  	_ =	shalt  }
0x5c: {  	_ =	shalt  }
0x5d: {  	_ =	shalt  }
0x5e: {  	_ =	shalt  }
0x5f: {  	_ =	shalt  }
0x60: {  	_ =	shalt  }
0x61: {  	_ =	shalt  }
0x62: {  	_ =	shalt  }
0x63: {  	_ =	shalt  }
0x64: {  	_ =	shalt  }
0x65: {  	_ =	shalt  }
0x66: {  	_ =	shalt  }
0x67: {  	_ =	shalt  }
0x68: {  	_ =	shalt  }
0x69: {  	_ =	shalt  }
0x6a: {  	_ =	shalt  }
0x6b: {  	_ =	shalt  }
0x6c: {  	_ =	shalt  }
0x6d: {  	_ =	shalt  }
0x6e: {  	_ =	shalt  }
0x6f: {  	_ =	shalt  }
0x70: {  	_ =	shalt  }
0x71: {  	_ =	shalt  }
0x72: {  	_ =	shalt  }
0x73: {  	_ =	shalt  }
0x74: {  	_ =	shalt  }
0x75: {  	_ =	shalt  }
0x76: {  	_ =	shalt  }
0x77: {  	_ =	shalt  }
0x78: {  	_ =	shalt  }
0x79: {  	_ =	shalt  }
0x7a: {  	_ =	shalt  }
0x7b: {  	_ =	shalt  }
0x7c: {  	_ =	shalt  }
0x7d: {  	_ =	shalt  }
0x7e: {  	_ =	shalt  }
0x7f: {  	_ =	shalt  }
0x80: {  	_ =	shalt  }
0x81: {  	_ =	shalt  }
0x82: {  	_ =	shalt  }
0x83: {  	_ =	shalt  }
0x84: {  	_ =	shalt  }
0x85: {  	_ =	shalt  }
0x86: {  	_ =	shalt  }
0x87: {  	_ =	shalt  }
.Lfunc_end0:
.L_simem_size_0:
called_computation.1_lowered:
.L_overlay_start_0:
0x88: {  	s2 =	sld [smem:$0x3FD9]  }
0x89: {  	s3 =	sld [smem:$0x3FFE];
	_ =	sdelay $0x1  }
0x8a: {  	s1 =	srdreg.scid  }
0x8b: {  	s0 =	sand.u32 $0x1, s1  }
0x8c: {  	s17 =	sshll.u32 s0, $0xA;
	s2 =	sadd.s32 s3, s2  }
0x8d: {  	s2 =	sadd.s32 s2, s17  }
0x8e: {  	[smem:$0x3FC2] =	sst s2  }
0x8f: {  	_ = 	snop  }
0x90: {  	s2 =	sld [smem:$0x3FD0];
	(tm) =	ssettm $0x1  }
0x91: {  	s18 =	sld [smem:$0x3FFB];
	_ =	sdelay $0x3  }
0x92: {  	_ =	strace s18  }
0x93: {  	s3 =	sld [smem:$0x3FFC];
	_ =	sdelay $0x3  }
0x94: {  	_ =	strace s3  }
0x95: {  	s3 =	sld [smem:$0x3FFD];
	_ =	sdelay $0x3  }
0x96: {  	_ =	strace s3  }
0x97: {  	_ =	strace $0x8FFFFFFF  }
0x98: {  	s19 =	sld [smem:$0x3FDB];
	_ =	sdelay $0x1  }
0x99: {  	s4 =	simm.s32 $_scs_section_size  }
0x9a: {  	s5 =	simm.s32 $_size__tile_overlayer_lowered;
	s6 =	simm.s32 $_tile_overlayer_lowered  }
0x9b: {  	s22 =	simm.s32 $0x1BFF;
	s21 =	sshll.u32 s6, $0x1;
	s3 =	sadd.s32 s4, s19  }
0x9c: {  	s7 =	simm.s32 $0x0;
	s20 =	sshll.u32 s5, $0x1;
	s5 =	sadd.s32 s21, s3  }
0x9d: {  	[timem:s7], [sflag:s22] =	dma.local [hbm:s5], s20  }
0x9e: {  	_ =	swait.ge [sflag:s22], s20  }
0x9f: {  	s4 =	ssub.s32 $0x0, s20;
	[sflag:s22] =	ssyncset.done $0x0  }
0xa0: {  	[sflag:s22] =	ssyncadd.s32 s4;
	_ =	sdelay $0x1  }
0xa1: {  	s23 =	simm.s32 $0x1B8B  }
0xa2: {  	_ =	swait.ge [sflag:s23], $0x1  }
0xa3: {  	[sflag:s23] =	ssyncset.done $0x0  }
0xa4: {  	s25 =	simm.s32 $0x1B8E;
	s24 =	sld [smem:$0x3FFE];
	[sflag:s23] =	ssyncadd.s32 $0xFFFFFFFF  }
0xa5: {  	s26 =	simm.s32 $execute0_lowered;
	[smem:$0x3FD2] =	sst s25  }
0xa6: {  	s5 =	sshll.u32 s26, $0x1;
	_ =	strace $0x80000049;
	[dreg:$0x1] =	wrdreg $0xFFFFFFFF  }
0xa7: {  	s28 =	simm.s32 $_size_execute0_lowered;
	s3 =	sadd.s32 s3, s5;
	[dreg:$0x0] =	wrdreg $0x0  }
0xa8: {  	s5 =	sshll.u32 s28, $0x1;
	[dreg:$0x2] =	wrdreg s3  }
0xa9: {  	[dreg:$0x3] =	wrdreg s5  }
0xaa: {  	[dreg:$0x4] =	wrdreg $0xC0  }
0xab: {  	_ =	task [dreg:s7], $0x5FFFF  }
0xac: {  	[dreg:$0x1] =	wrdreg $0xFFFFFFFF  }
0xad: {  	[dreg:$0x0] =	wrdreg $0x60  }
0xae: {  	[dreg:$0x2] =	wrdreg s2  }
0xaf: {  	[dreg:$0x3] =	wrdreg s24  }
0xb0: {  	[dreg:$0x4] =	wrdreg $0xAA000  }
0xb1: {  	[dreg:$0x5] =	wrdreg $0x9  }
0xb2: {  	_ =	task.clear_ibuf [dreg:s7], $0x6FFFF;
	_ =	strace $0x90000049  }
0xb3: {  	s29 =	simm.s32 $0x9;
	_ =	strace $0x8000004B  }
0xb4: {  	_ =	swait.ge [sflag:s29], $0x1  }
0xb5: {  	[sflag:s29] =	ssyncadd.s32 $0xFFFFFFFF  }
0xb6: {  	_ =	strace $0x9000004B  }
0xb7: {  	_ =	sfence  }
0xb8: {  	s30 =	sld [smem:$0x0];
	_ =	sdelay $0x2  }
0xb9: {  	s31 =	sshll.u32 s1, $0xD;
	s1 =	sshrl.u32 s1, $0x2  }
0xba: {  	s3 =	sand.u32 $0x4000, s31;
	s1 =	sadd.s32 s1, s30  }
0xbb: {  	s0 =	sor.u32 s3, s0;
	s1 =	sshll.u32 s1, $0x11  }
0xbc: {  	s0 =	sor.u32 s1, s0  }
0xbd: {  	s0 =	sadd.s32 $0x8F2B, s0  }
0xbe: {  	[sflag:s0] =	ssyncadd.remote.s32 $0x1  }
0xbf: {  	_ =	sfence.sel $0xFFFF  }
0xc0: {  	[dreg:$0x0] =	wrdreg $0xFFFFFFFF;
	(pc) =	sbr.abs _section_cstart, $3  }
0xc1: {  	[dreg:$0x1] =	wrdreg $0xFFFFFFFF  }
0xc2: {  	_ =	task.clear_ibuf [dreg:s7], $0x2FFFF;
	_ =	strace $0x9FFFFFFF  }
0xc3: {  	(tm) =	ssettm $0x7FFFFFFF  }
tec
execute0_lowered:
.L_overlay_start_1:
0x0: {  	(tag) =	ssettag $0x1  }
0x1: {  	s2 =	rddreg [dreg:$0x0]  }
0x2: {  	s0 =	rddreg [dreg:$0x1]  }
0x3: {  	s3 =	rddreg [dreg:$0x2]  }
0x4: {  	s5 =	stileid.u32;
	s4 =	simm.s32 $0x0;
	s7 =	srdreg.scid  }
0x5: {  	s29 =	simm.s32 $0x6A00;
	s30 =	simm.s32 $0x2900;
	s28 =	simm.s32 $0x6  }
0x6: {  	s31 =	simm.s32 $0x7;
	s12 =	smul.u32 $0x2800, s5;
	[smem:$0x7FF] =	sst s4  }
0x7: {  	s6 =	sadd.s32 $0x6C00, s0;
	s7 =	sand.u32 $0x1, s7;
	s11 =	smul.u32 $0x50000, s5  }
0x8: {  	s9 =	sadd.s32 $0x1C00, s0;
	s13 =	sadd.s32 $0x36C00, s0;
	s20 =	smul.u32 $0x500, s5  }
0x9: {  	s25 =	sshll.u32 s5, $0x6;
	_ =	strace $0x8000004A;
	[dreg:$0x5] =	wrdreg s13  }
0xa: {  	s10 =	ssub.s32 $0x2, s7;
	p0 =	seq.s32 s7, $0x1;
	[dreg:$0xe] =	wrdreg s25  }
0xb: {  	s26 =	sor.u32 $0x1C09, s25;
	s25 =	simm.s32 $0x4A00;
	s1 =	sshrl.u32 s12, $0x3  }
0xc: {  	s15 =	sshrl.u32 s10, $0x1;
	s16 =	sshrl.u32 s11, $0x2;
	s17 =	sadd.s32 s2, s12  }
0xd: {  	[dreg:$0x4] =	wrdreg s12;
	s23 =	sadd.s32 s6, s12;
	s24 =	sadd.s32 s20, s9  }
0xe: {  	[dreg:$0xf] =	wrdreg s26;
	s26 =	simm.s32 $0x2880;
	s11 =	simm.s32 $0x8  }
0xf: {  	s12 =	simm.s32 $0x0;
	s8 =	sadd.s32 s1, s0;
	[dreg:$0x7] =	wrdreg s17  }
0x10: {  	s0 =	sadd.s32 $0x5EC00, s0;
	s7 =	sadd.s32 s16, s3;
	[dreg:$0xc] =	wrdreg s23  }
0x11: {  	s23 =	simm.s32 $0x2A00;
	s17 =	simm.s32 $0x4;
	[dreg:$0x6] =	wrdreg s0  }
0x12: {  	s0 =	ssub.s32 s10, s15;
	s10 =	sadd.s32 s9, s1;
	s18 =	sadd.s32 $0x31C00, s8  }
0x13: {  	s20 =	sshrl.u32 s7, $0x3;
	s1 =	simm.s32 $0x2980;
	s7 =	simm.s32 $0x1  }
0x14: {  	s8 =	simm.s32 $0x5;
	[dreg:$0x8] =	wrdreg s18;
	s19 =	sadd.s32 $0x8, s10  }
.Ltmp0:
0x15: {  	s21 =	sadd.s32 $0x10, s10;
	[dreg:$0x9] =	wrdreg s19;
	(pc) =	sbr.rel .LBB2_1-.Ltmp0, $4  }
0x16: {  	s9 =	simm.s32 $0x2;
	s22 =	sadd.s32 $0x18, s10;
	[dreg:$0xa] =	wrdreg s21  }
0x17: {  	s15 =	simm.s32 $0x3;
	s0 =	smax.u32 s0, $0x1;
	[dreg:$0xb] =	wrdreg s22  }
0x18: {  	s18 =	sadd.s32 $0x20, s24;
	s24 =	simm.s32 $0x2800;
	[dreg:$0xd] =	wrdreg s0  }
0x19: {  	s21 =	simm.s32 $0x9;
	s22 =	simm.s32 $0x40;
	s0 =	simm.s32 $0x8A00  }
.LBB2_7:
0x1a: {  	[tilespmem:s1], [sflag:$0x8] =	stream.linear.gather [hbm4b:s13+s4], $0x40, $0x38;
	[tilespmem:$0x1EA00] =	vst v63  }
0x1b: {  	s13 =	rddreg [dreg:$0x6]  }
0x1c: {  	s19 =	rddreg [dreg:$0xf]  }
.LBB2_8:
0x1d: {  	_ =	swait.ge [sflag:s7], $0x2000  }
0x1e: {  	[sflag:s7] =	ssyncset.done $0x0  }
0x1f: {  	[sflag:s7] =	ssyncadd.s32 $0xFFFFE000  }
0x20: {  	_ =	swait.ge [sflag:s8], $0x40  }
0x21: {  	[sflag:s8] =	ssyncset.done $0x0  }
0x22: {  	[sflag:s8] =	ssyncadd.s32 $0xFFFFFFC0  }
0x23: {  	[spmem:s3] =	stream.indirect.scatter.add.f32 [tilespmem:s23], [sflag:$0x9], $0x80, s24, s22, $0xb8;
	[tilespmem:$0x1EA00] =	vst v63  }
0x24: {  	_ =	swait.ge [sflag:s21], $0x2000  }
0x25: {  	[sflag:s21] =	ssyncset.done $0x0  }
0x26: {  	[sflag:s21] =	ssyncadd.s32 $0xFFFFE000  }
0x27: {  	_ =	swait.ge [sflag:s9], $0x2000  }
0x28: {  	[sflag:s9] =	ssyncset.done $0x0  }
0x29: {  	[sflag:s9] =	ssyncadd.s32 $0xFFFFE000  }
0x2a: {  	_ =	swait.ge [sflag:s28], $0x40  }
0x2b: {  	[sflag:s28] =	ssyncset.done $0x0  }
0x2c: {  	[sflag:s28] =	ssyncadd.s32 $0xFFFFFFC0  }
0x2d: {  	[spmem:s3] =	stream.indirect.scatter.add.f32 [tilespmem:s25], [sflag:$0x9], $0x80, s26, s22, $0xb8;
	[tilespmem:$0x1EA00] =	vst v63  }
0x2e: {  	_ =	swait.ge [sflag:s21], $0x2000  }
0x2f: {  	[sflag:s21] =	ssyncset.done $0x0  }
0x30: {  	[sflag:s21] =	ssyncadd.s32 $0xFFFFE000  }
0x31: {  	_ =	swait.ge [sflag:s15], $0x2000  }
0x32: {  	[sflag:s15] =	ssyncset.done $0x0  }
0x33: {  	[sflag:s15] =	ssyncadd.s32 $0xFFFFE000  }
0x34: {  	_ =	swait.ge [sflag:s31], $0x40  }
0x35: {  	[sflag:s31] =	ssyncset.done $0x0  }
0x36: {  	[sflag:s31] =	ssyncadd.s32 $0xFFFFFFC0  }
0x37: {  	[spmem:s3] =	stream.indirect.scatter.add.f32 [tilespmem:s29], [sflag:$0x9], $0x80, s30, s22, $0xb8;
	[tilespmem:$0x1EA00] =	vst v63  }
0x38: {  	_ =	swait.ge [sflag:s21], $0x2000  }
0x39: {  	[sflag:s21] =	ssyncset.done $0x0  }
0x3a: {  	[sflag:s21] =	ssyncadd.s32 $0xFFFFE000  }
0x3b: {  	_ =	swait.ge [sflag:s17], $0x2000  }
0x3c: {  	[sflag:s17] =	ssyncset.done $0x0  }
0x3d: {  	[sflag:s17] =	ssyncadd.s32 $0xFFFFE000  }
0x3e: {  	_ =	swait.ge [sflag:s11], $0x40  }
0x3f: {  	[sflag:s11] =	ssyncset.done $0x0  }
0x40: {  	[sflag:s11] =	ssyncadd.s32 $0xFFFFFFC0  }
0x41: {  	[spmem:s3] =	stream.indirect.scatter.add.f32 [tilespmem:s0], [sflag:$0x9], $0x80, s1, s22, $0xb8;
	[tilespmem:$0x1EA00] =	vst v63  }
0x42: {  	_ =	swait.ge [sflag:s21], $0x2000  }
0x43: {  	[sflag:s21] =	ssyncset.done $0x0  }
0x44: {  	s5 =	rddreg [dreg:$0x4];
	[sflag:s21] =	ssyncadd.s32 $0xFFFFE000  }
0x45: {  	s5 =	sadd.s32 s13, s5;
	[bflag:$0x0] =	sbarrier.arrive $0xFFFF  }
0x46: {  	[hbm:s5], [sflag:s19] =	dma.local [spmem:s20], $0x2800  }
0x47: {  	_ =	swait.ge [sflag:s21], $0x2800  }
0x48: {  	s12 =	sadd.s32 $0x1, s12;
	s19 =	rddreg [dreg:$0xd]  }
0x49: {  	p1 =	sne.s32 s12, s19  }
.Ltmp1:
0x4a: {  	_ = 	snop;
	(pc) =	sbr.rel @!p1 .LBB2_9-.Ltmp1, $3  }
0x4b: {  	_ =	sdelay $0x1  }
0x4c: {  	[sflag:s21] =	ssyncset.done $0x0  }
0x4d: {  	[sflag:s21] =	ssyncadd.s32 $0xFFFFD800  }
.LBB2_1:
.Ltmp2:
0x4e: {  	(pc) =	sbr.rel @!p0 .LBB2_2-.Ltmp2, $1  }
0x4f: {  	_ =	sdelay $0x3  }
0x50: {  	s5 =	rddreg [dreg:$0xc]  }
0x51: {  	s13 =	rddreg [dreg:$0xf]  }
0x52: {  	[spmem:s20], [sflag:s13] =	dma.local [hbm:s5], $0x2800  }
0x53: {  	_ =	swait.ge [sflag:s21], $0x2800  }
0x54: {  	[sflag:s21] =	ssyncset.done $0x0  }
0x55: {  	s5 =	simm.s32 $0x0;
	s16 =	rddreg [dreg:$0x8];
	[sflag:s21] =	ssyncadd.s32 $0xFFFFD800  }
0x56: {  	[tilespmem:s5], [sflag:$0x9] =	stream.linear.gather [hbm4b:s16+s5], $0x2800, $0x38;
	[tilespmem:$0x1EA00] =	vst v63  }
0x57: {  	_ =	swait.ge [sflag:s21], $0x2800  }
0x58: {  	[sflag:s21] =	ssyncset.done $0x0  }
0x59: {  	[sflag:s21] =	ssyncadd.s32 $0xFFFFD800  }
0x5a: {  	[bflag:$0x0] =	sbarrier.arrive $0xFFFF  }
0x5b: {  	[tilespmem:s23], [sflag:$0x1] =	stream.indirect.gather [hbm4b:s6+s22], $0x80, s5, s22, $0xb8;
	[tilespmem:$0x1EA00] =	vst v63  }
0x5c: {  	_ = 	snop  }
0x5d: {  	[tilespmem:s24], [sflag:$0x5] =	stream.linear.gather [hbm4b:s10+s5], $0x40, $0x38;
	[tilespmem:$0x1EA00] =	vst v63  }
0x5e: {  	_ = 	snop  }
0x5f: {  	[tilespmem:s25], [sflag:$0x2] =	stream.indirect.gather [hbm4b:s6+s22], $0x80, s22, s22, $0xb8;
	[tilespmem:$0x1EA00] =	vst v63  }
0x60: {  	s19 =	rddreg [dreg:$0x9]  }
0x61: {  	[tilespmem:s26], [sflag:$0x6] =	stream.linear.gather [hbm4b:s19+s5], $0x40, $0x38;
	[tilespmem:$0x1EA00] =	vst v63  }
0x62: {  	s14 =	simm.s32 $0x80  }
0x63: {  	[tilespmem:s29], [sflag:$0x3] =	stream.indirect.gather [hbm4b:s6+s22], $0x80, s14, s22, $0xb8;
	[tilespmem:$0x1EA00] =	vst v63  }
0x64: {  	s16 =	rddreg [dreg:$0xa]  }
0x65: {  	[tilespmem:s30], [sflag:$0x7] =	stream.linear.gather [hbm4b:s16+s5], $0x40, $0x38;
	[tilespmem:$0x1EA00] =	vst v63  }
0x66: {  	s19 =	simm.s32 $0xC0  }
0x67: {  	[tilespmem:s0], [sflag:$0x4] =	stream.indirect.gather [hbm4b:s6+s22], $0x80, s19, s22, $0xb8;
	[tilespmem:$0x1EA00] =	vst v63  }
0x68: {  	s14 =	rddreg [dreg:$0xb]  }
0x69: {  	[tilespmem:s1], [sflag:$0x8] =	stream.linear.gather [hbm4b:s14+s5], $0x40, $0x38;
	[tilespmem:$0x1EA00] =	vst v63  }
0x6a: {  	_ =	swait.ge [sflag:s7], $0x2000  }
0x6b: {  	[sflag:s7] =	ssyncset.done $0x0  }
0x6c: {  	[sflag:s7] =	ssyncadd.s32 $0xFFFFE000  }
0x6d: {  	_ =	swait.ge [sflag:s8], $0x40  }
0x6e: {  	[sflag:s8] =	ssyncset.done $0x0  }
0x6f: {  	[sflag:s8] =	ssyncadd.s32 $0xFFFFFFC0  }
0x70: {  	[spmem:s3] =	stream.indirect.scatter.add.f32 [tilespmem:s23], [sflag:$0x9], $0x80, s24, s22, $0xb8;
	[tilespmem:$0x1EA00] =	vst v63  }
0x71: {  	_ =	swait.ge [sflag:s21], $0x2000  }
0x72: {  	[sflag:s21] =	ssyncset.done $0x0  }
0x73: {  	s16 =	simm.s32 $0x100;
	[sflag:s21] =	ssyncadd.s32 $0xFFFFE000  }
0x74: {  	[tilespmem:s23], [sflag:$0x1] =	stream.indirect.gather [hbm4b:s6+s22], $0x80, s16, s22, $0xb8;
	[tilespmem:$0x1EA00] =	vst v63  }
0x75: {  	_ = 	snop  }
0x76: {  	[tilespmem:s24], [sflag:$0x5] =	stream.linear.gather [hbm4b:s18+s4], $0x40, $0x38;
	[tilespmem:$0x1EA00] =	vst v63  }
0x77: {  	_ =	swait.ge [sflag:s9], $0x2000  }
0x78: {  	[sflag:s9] =	ssyncset.done $0x0  }
0x79: {  	[sflag:s9] =	ssyncadd.s32 $0xFFFFE000  }
0x7a: {  	_ =	swait.ge [sflag:s28], $0x40  }
0x7b: {  	[sflag:s28] =	ssyncset.done $0x0  }
0x7c: {  	[sflag:s28] =	ssyncadd.s32 $0xFFFFFFC0  }
0x7d: {  	[spmem:s3] =	stream.indirect.scatter.add.f32 [tilespmem:s25], [sflag:$0x9], $0x80, s26, s22, $0xb8;
	[tilespmem:$0x1EA00] =	vst v63  }
0x7e: {  	_ =	swait.ge [sflag:s21], $0x2000  }
0x7f: {  	[sflag:s21] =	ssyncset.done $0x0  }
0x80: {  	s19 =	simm.s32 $0x140;
	[sflag:s21] =	ssyncadd.s32 $0xFFFFE000  }
0x81: {  	[tilespmem:s25], [sflag:$0x2] =	stream.indirect.gather [hbm4b:s6+s22], $0x80, s19, s22, $0xb8;
	[tilespmem:$0x1EA00] =	vst v63  }
0x82: {  	s13 =	sadd.s32 $0x8, s18  }
0x83: {  	[tilespmem:s26], [sflag:$0x6] =	stream.linear.gather [hbm4b:s13+s4], $0x40, $0x38;
	[tilespmem:$0x1EA00] =	vst v63  }
0x84: {  	_ =	swait.ge [sflag:s15], $0x2000  }
0x85: {  	[sflag:s15] =	ssyncset.done $0x0  }
0x86: {  	[sflag:s15] =	ssyncadd.s32 $0xFFFFE000  }
0x87: {  	_ =	swait.ge [sflag:s31], $0x40  }
0x88: {  	[sflag:s31] =	ssyncset.done $0x0  }
0x89: {  	[sflag:s31] =	ssyncadd.s32 $0xFFFFFFC0  }
0x8a: {  	[spmem:s3] =	stream.indirect.scatter.add.f32 [tilespmem:s29], [sflag:$0x9], $0x80, s30, s22, $0xb8;
	[tilespmem:$0x1EA00] =	vst v63  }
0x8b: {  	_ =	swait.ge [sflag:s21], $0x2000  }
0x8c: {  	[sflag:s21] =	ssyncset.done $0x0  }
0x8d: {  	s14 =	simm.s32 $0x180;
	[sflag:s21] =	ssyncadd.s32 $0xFFFFE000  }
0x8e: {  	[tilespmem:s29], [sflag:$0x3] =	stream.indirect.gather [hbm4b:s6+s22], $0x80, s14, s22, $0xb8;
	[tilespmem:$0x1EA00] =	vst v63  }
0x8f: {  	s16 =	sadd.s32 $0x10, s18  }
0x90: {  	[tilespmem:s30], [sflag:$0x7] =	stream.linear.gather [hbm4b:s16+s4], $0x40, $0x38;
	[tilespmem:$0x1EA00] =	vst v63  }
0x91: {  	_ =	swait.ge [sflag:s17], $0x2000  }
0x92: {  	[sflag:s17] =	ssyncset.done $0x0  }
0x93: {  	[sflag:s17] =	ssyncadd.s32 $0xFFFFE000  }
0x94: {  	_ =	swait.ge [sflag:s11], $0x40  }
0x95: {  	[sflag:s11] =	ssyncset.done $0x0  }
0x96: {  	[sflag:s11] =	ssyncadd.s32 $0xFFFFFFC0  }
0x97: {  	[spmem:s3] =	stream.indirect.scatter.add.f32 [tilespmem:s0], [sflag:$0x9], $0x80, s1, s22, $0xb8;
	[tilespmem:$0x1EA00] =	vst v63  }
0x98: {  	_ =	swait.ge [sflag:s21], $0x2000  }
0x99: {  	s19 =	simm.s32 $0x1C0;
	s13 =	sadd.s32 $0x18, s18;
	[sflag:s21] =	ssyncset.done $0x0  }
0x9a: {  	s14 =	simm.s32 $0x400;
	s16 =	sadd.s32 $0x20, s18;
	[sflag:s21] =	ssyncadd.s32 $0xFFFFE000  }
0x9b: {  	[tilespmem:s0], [sflag:$0x4] =	stream.indirect.gather [hbm4b:s6+s22], $0x80, s19, s22, $0xb8;
	[tilespmem:$0x1EA00] =	vst v63  }
.LBB2_6:
0x9c: {  	[tilespmem:s1], [sflag:$0x8] =	stream.linear.gather [hbm4b:s13+s4], $0x40, $0x38;
	[tilespmem:$0x1EA00] =	vst v63  }
0x9d: {  	s5 =	smov.u32 s14  }
0x9e: {  	p1 =	sne.s32 s14, $0x9800;
	s14 =	sadd.s32 $0x400, s14;
	_ =	swait.ge [sflag:s7], $0x2000  }
0x9f: {  	[sflag:s7] =	ssyncset.done $0x0  }
0xa0: {  	[sflag:s7] =	ssyncadd.s32 $0xFFFFE000  }
0xa1: {  	_ =	swait.ge [sflag:s8], $0x40  }
0xa2: {  	[sflag:s8] =	ssyncset.done $0x0  }
0xa3: {  	[sflag:s8] =	ssyncadd.s32 $0xFFFFFFC0  }
0xa4: {  	[spmem:s3] =	stream.indirect.scatter.add.f32 [tilespmem:s23], [sflag:$0x9], $0x80, s24, s22, $0xb8;
	[tilespmem:$0x1EA00] =	vst v63  }
0xa5: {  	_ =	swait.ge [sflag:s21], $0x2000  }
0xa6: {  	s13 =	sshra.s32 s5, $0x2;
	[sflag:s21] =	ssyncset.done $0x0  }
0xa7: {  	s5 =	sadd.s32 $0x100, s13;
	[sflag:s21] =	ssyncadd.s32 $0xFFFFE000  }
0xa8: {  	[tilespmem:s23], [sflag:$0x1] =	stream.indirect.gather [hbm4b:s6+s22], $0x80, s5, s22, $0xb8;
	[tilespmem:$0x1EA00] =	vst v63  }
0xa9: {  	_ = 	snop  }
0xaa: {  	[tilespmem:s24], [sflag:$0x5] =	stream.linear.gather [hbm4b:s16+s4], $0x40, $0x38;
	[tilespmem:$0x1EA00] =	vst v63  }
0xab: {  	_ =	swait.ge [sflag:s9], $0x2000  }
0xac: {  	[sflag:s9] =	ssyncset.done $0x0  }
0xad: {  	[sflag:s9] =	ssyncadd.s32 $0xFFFFE000  }
0xae: {  	_ =	swait.ge [sflag:s28], $0x40  }
0xaf: {  	[sflag:s28] =	ssyncset.done $0x0  }
0xb0: {  	[sflag:s28] =	ssyncadd.s32 $0xFFFFFFC0  }
0xb1: {  	[spmem:s3] =	stream.indirect.scatter.add.f32 [tilespmem:s25], [sflag:$0x9], $0x80, s26, s22, $0xb8;
	[tilespmem:$0x1EA00] =	vst v63  }
0xb2: {  	_ =	swait.ge [sflag:s21], $0x2000  }
0xb3: {  	[sflag:s21] =	ssyncset.done $0x0  }
0xb4: {  	s5 =	sadd.s32 $0x140, s13;
	[sflag:s21] =	ssyncadd.s32 $0xFFFFE000  }
0xb5: {  	[tilespmem:s25], [sflag:$0x2] =	stream.indirect.gather [hbm4b:s6+s22], $0x80, s5, s22, $0xb8;
	[tilespmem:$0x1EA00] =	vst v63  }
0xb6: {  	s5 =	sadd.s32 $0x8, s16  }
0xb7: {  	[tilespmem:s26], [sflag:$0x6] =	stream.linear.gather [hbm4b:s5+s4], $0x40, $0x38;
	[tilespmem:$0x1EA00] =	vst v63  }
0xb8: {  	_ =	swait.ge [sflag:s15], $0x2000  }
0xb9: {  	[sflag:s15] =	ssyncset.done $0x0  }
0xba: {  	[sflag:s15] =	ssyncadd.s32 $0xFFFFE000  }
0xbb: {  	_ =	swait.ge [sflag:s31], $0x40  }
0xbc: {  	[sflag:s31] =	ssyncset.done $0x0  }
0xbd: {  	[sflag:s31] =	ssyncadd.s32 $0xFFFFFFC0  }
0xbe: {  	[spmem:s3] =	stream.indirect.scatter.add.f32 [tilespmem:s29], [sflag:$0x9], $0x80, s30, s22, $0xb8;
	[tilespmem:$0x1EA00] =	vst v63  }
0xbf: {  	_ =	swait.ge [sflag:s21], $0x2000  }
0xc0: {  	[sflag:s21] =	ssyncset.done $0x0  }
0xc1: {  	s5 =	sadd.s32 $0x180, s13;
	[sflag:s21] =	ssyncadd.s32 $0xFFFFE000  }
0xc2: {  	[tilespmem:s29], [sflag:$0x3] =	stream.indirect.gather [hbm4b:s6+s22], $0x80, s5, s22, $0xb8;
	[tilespmem:$0x1EA00] =	vst v63  }
0xc3: {  	s5 =	sadd.s32 $0x10, s16  }
0xc4: {  	[tilespmem:s30], [sflag:$0x7] =	stream.linear.gather [hbm4b:s5+s4], $0x40, $0x38;
	[tilespmem:$0x1EA00] =	vst v63  }
0xc5: {  	_ =	swait.ge [sflag:s17], $0x2000  }
0xc6: {  	[sflag:s17] =	ssyncset.done $0x0  }
0xc7: {  	[sflag:s17] =	ssyncadd.s32 $0xFFFFE000  }
0xc8: {  	_ =	swait.ge [sflag:s11], $0x40  }
0xc9: {  	[sflag:s11] =	ssyncset.done $0x0  }
0xca: {  	[sflag:s11] =	ssyncadd.s32 $0xFFFFFFC0  }
0xcb: {  	[spmem:s3] =	stream.indirect.scatter.add.f32 [tilespmem:s0], [sflag:$0x9], $0x80, s1, s22, $0xb8;
	[tilespmem:$0x1EA00] =	vst v63  }
.Ltmp3:
0xcc: {  	_ =	swait.ge [sflag:s21], $0x2000;
	(pc) =	sbr.rel @p1 .LBB2_6-.Ltmp3, $4  }
0xcd: {  	[sflag:s21] =	ssyncset.done $0x0  }
0xce: {  	s5 =	sadd.s32 $0x1C0, s13;
	[sflag:s21] =	ssyncadd.s32 $0xFFFFE000  }
0xcf: {  	[tilespmem:s0], [sflag:$0x4] =	stream.indirect.gather [hbm4b:s6+s22], $0x80, s5, s22, $0xb8;
	[tilespmem:$0x1EA00] =	vst v63  }
0xd0: {  	s13 =	sadd.s32 $0x18, s16;
	s16 =	sadd.s32 $0x20, s16  }
.Ltmp4:
0xd1: {  	_ = 	snop;
	(pc) =	sbr.rel .LBB2_7-.Ltmp4, $1  }
0xd2: {  	_ =	sdelay $0x3  }
.LBB2_2:
0xd3: {  	s5 =	rddreg [dreg:$0xe]  }
0xd4: {  	s13 =	rddreg [dreg:$0x7];
	s19 =	sor.u32 $0x1C09, s5  }
0xd5: {  	[spmem:s20], [sflag:s19] =	dma.local [hbm:s13], $0x2800  }
0xd6: {  	_ =	swait.ge [sflag:s21], $0x2800  }
0xd7: {  	[sflag:s21] =	ssyncset.done $0x0  }
0xd8: {  	s13 =	simm.s32 $0x0;
	s14 =	rddreg [dreg:$0x8];
	[sflag:s21] =	ssyncadd.s32 $0xFFFFD800  }
0xd9: {  	[tilespmem:s13], [sflag:$0x9] =	stream.linear.gather [hbm4b:s14+s13], $0x2800, $0x38;
	[tilespmem:$0x1EA00] =	vst v63  }
0xda: {  	_ =	swait.ge [sflag:s21], $0x2800  }
0xdb: {  	[sflag:s21] =	ssyncset.done $0x0  }
0xdc: {  	[sflag:s21] =	ssyncadd.s32 $0xFFFFD800  }
0xdd: {  	[bflag:$0x0] =	sbarrier.arrive $0xFFFF  }
0xde: {  	[tilespmem:s23], [sflag:$0x1] =	stream.indirect.gather [hbm4b:s2+s22], $0x80, s13, s22, $0xb8;
	[tilespmem:$0x1EA00] =	vst v63  }
0xdf: {  	_ = 	snop  }
0xe0: {  	[tilespmem:s24], [sflag:$0x5] =	stream.linear.gather [hbm4b:s10+s13], $0x40, $0x38;
	[tilespmem:$0x1EA00] =	vst v63  }
0xe1: {  	_ = 	snop  }
0xe2: {  	[tilespmem:s25], [sflag:$0x2] =	stream.indirect.gather [hbm4b:s2+s22], $0x80, s22, s22, $0xb8;
	[tilespmem:$0x1EA00] =	vst v63  }
0xe3: {  	s16 =	rddreg [dreg:$0x9]  }
0xe4: {  	[tilespmem:s26], [sflag:$0x6] =	stream.linear.gather [hbm4b:s16+s13], $0x40, $0x38;
	[tilespmem:$0x1EA00] =	vst v63  }
0xe5: {  	s14 =	simm.s32 $0x80  }
0xe6: {  	[tilespmem:s29], [sflag:$0x3] =	stream.indirect.gather [hbm4b:s2+s22], $0x80, s14, s22, $0xb8;
	[tilespmem:$0x1EA00] =	vst v63  }
0xe7: {  	s16 =	rddreg [dreg:$0xa]  }
0xe8: {  	[tilespmem:s30], [sflag:$0x7] =	stream.linear.gather [hbm4b:s16+s13], $0x40, $0x38;
	[tilespmem:$0x1EA00] =	vst v63  }
0xe9: {  	s14 =	simm.s32 $0xC0  }
0xea: {  	[tilespmem:s0], [sflag:$0x4] =	stream.indirect.gather [hbm4b:s2+s22], $0x80, s14, s22, $0xb8;
	[tilespmem:$0x1EA00] =	vst v63  }
0xeb: {  	s16 =	rddreg [dreg:$0xb]  }
0xec: {  	[tilespmem:s1], [sflag:$0x8] =	stream.linear.gather [hbm4b:s16+s13], $0x40, $0x38;
	[tilespmem:$0x1EA00] =	vst v63  }
0xed: {  	_ =	swait.ge [sflag:s7], $0x2000  }
0xee: {  	[sflag:s7] =	ssyncset.done $0x0  }
0xef: {  	[sflag:s7] =	ssyncadd.s32 $0xFFFFE000  }
0xf0: {  	_ =	swait.ge [sflag:s8], $0x40  }
0xf1: {  	[sflag:s8] =	ssyncset.done $0x0  }
0xf2: {  	[sflag:s8] =	ssyncadd.s32 $0xFFFFFFC0  }
0xf3: {  	[spmem:s3] =	stream.indirect.scatter.add.f32 [tilespmem:s23], [sflag:$0x9], $0x80, s24, s22, $0xb8;
	[tilespmem:$0x1EA00] =	vst v63  }
0xf4: {  	_ =	swait.ge [sflag:s21], $0x2000  }
0xf5: {  	[sflag:s21] =	ssyncset.done $0x0  }
0xf6: {  	s5 =	simm.s32 $0x100;
	[sflag:s21] =	ssyncadd.s32 $0xFFFFE000  }
0xf7: {  	[tilespmem:s23], [sflag:$0x1] =	stream.indirect.gather [hbm4b:s2+s22], $0x80, s5, s22, $0xb8;
	[tilespmem:$0x1EA00] =	vst v63  }
0xf8: {  	_ = 	snop  }
0xf9: {  	[tilespmem:s24], [sflag:$0x5] =	stream.linear.gather [hbm4b:s18+s4], $0x40, $0x38;
	[tilespmem:$0x1EA00] =	vst v63  }
0xfa: {  	_ =	swait.ge [sflag:s9], $0x2000  }
0xfb: {  	[sflag:s9] =	ssyncset.done $0x0  }
0xfc: {  	[sflag:s9] =	ssyncadd.s32 $0xFFFFE000  }
0xfd: {  	_ =	swait.ge [sflag:s28], $0x40  }
0xfe: {  	[sflag:s28] =	ssyncset.done $0x0  }
0xff: {  	[sflag:s28] =	ssyncadd.s32 $0xFFFFFFC0  }
0x100: {  	[spmem:s3] =	stream.indirect.scatter.add.f32 [tilespmem:s25], [sflag:$0x9], $0x80, s26, s22, $0xb8;
	[tilespmem:$0x1EA00] =	vst v63  }
0x101: {  	_ =	swait.ge [sflag:s21], $0x2000  }
0x102: {  	[sflag:s21] =	ssyncset.done $0x0  }
0x103: {  	s14 =	simm.s32 $0x140;
	[sflag:s21] =	ssyncadd.s32 $0xFFFFE000  }
0x104: {  	[tilespmem:s25], [sflag:$0x2] =	stream.indirect.gather [hbm4b:s2+s22], $0x80, s14, s22, $0xb8;
	[tilespmem:$0x1EA00] =	vst v63  }
0x105: {  	s16 =	sadd.s32 $0x8, s18  }
0x106: {  	[tilespmem:s26], [sflag:$0x6] =	stream.linear.gather [hbm4b:s16+s4], $0x40, $0x38;
	[tilespmem:$0x1EA00] =	vst v63  }
0x107: {  	_ =	swait.ge [sflag:s15], $0x2000  }
0x108: {  	[sflag:s15] =	ssyncset.done $0x0  }
0x109: {  	[sflag:s15] =	ssyncadd.s32 $0xFFFFE000  }
0x10a: {  	_ =	swait.ge [sflag:s31], $0x40  }
0x10b: {  	[sflag:s31] =	ssyncset.done $0x0  }
0x10c: {  	[sflag:s31] =	ssyncadd.s32 $0xFFFFFFC0  }
0x10d: {  	[spmem:s3] =	stream.indirect.scatter.add.f32 [tilespmem:s29], [sflag:$0x9], $0x80, s30, s22, $0xb8;
	[tilespmem:$0x1EA00] =	vst v63  }
0x10e: {  	_ =	swait.ge [sflag:s21], $0x2000  }
0x10f: {  	[sflag:s21] =	ssyncset.done $0x0  }
0x110: {  	s5 =	simm.s32 $0x180;
	[sflag:s21] =	ssyncadd.s32 $0xFFFFE000  }
0x111: {  	[tilespmem:s29], [sflag:$0x3] =	stream.indirect.gather [hbm4b:s2+s22], $0x80, s5, s22, $0xb8;
	[tilespmem:$0x1EA00] =	vst v63  }
0x112: {  	s14 =	sadd.s32 $0x10, s18  }
0x113: {  	[tilespmem:s30], [sflag:$0x7] =	stream.linear.gather [hbm4b:s14+s4], $0x40, $0x38;
	[tilespmem:$0x1EA00] =	vst v63  }
0x114: {  	_ =	swait.ge [sflag:s17], $0x2000  }
0x115: {  	[sflag:s17] =	ssyncset.done $0x0  }
0x116: {  	[sflag:s17] =	ssyncadd.s32 $0xFFFFE000  }
0x117: {  	_ =	swait.ge [sflag:s11], $0x40  }
0x118: {  	[sflag:s11] =	ssyncset.done $0x0  }
0x119: {  	[sflag:s11] =	ssyncadd.s32 $0xFFFFFFC0  }
0x11a: {  	[spmem:s3] =	stream.indirect.scatter.add.f32 [tilespmem:s0], [sflag:$0x9], $0x80, s1, s22, $0xb8;
	[tilespmem:$0x1EA00] =	vst v63  }
0x11b: {  	_ =	swait.ge [sflag:s21], $0x2000  }
0x11c: {  	[sflag:s21] =	ssyncset.done $0x0  }
0x11d: {  	s16 =	simm.s32 $0x1C0;
	[sflag:s21] =	ssyncadd.s32 $0xFFFFE000  }
0x11e: {  	[tilespmem:s0], [sflag:$0x4] =	stream.indirect.gather [hbm4b:s2+s22], $0x80, s16, s22, $0xb8;
	[tilespmem:$0x1EA00] =	vst v63  }
0x11f: {  	s13 =	sadd.s32 $0x18, s18;
	s14 =	simm.s32 $0x400;
	s16 =	sadd.s32 $0x20, s18  }
.LBB2_3:
0x120: {  	[tilespmem:s1], [sflag:$0x8] =	stream.linear.gather [hbm4b:s13+s4], $0x40, $0x38;
	[tilespmem:$0x1EA00] =	vst v63  }
0x121: {  	s13 =	smov.u32 s14  }
0x122: {  	p1 =	seq.s32 s14, $0x9800;
	s14 =	sadd.s32 $0x400, s14;
	_ =	swait.ge [sflag:s7], $0x2000  }
0x123: {  	[sflag:s7] =	ssyncset.done $0x0  }
0x124: {  	[sflag:s7] =	ssyncadd.s32 $0xFFFFE000  }
0x125: {  	_ =	swait.ge [sflag:s8], $0x40  }
0x126: {  	[sflag:s8] =	ssyncset.done $0x0  }
0x127: {  	[sflag:s8] =	ssyncadd.s32 $0xFFFFFFC0  }
0x128: {  	[spmem:s3] =	stream.indirect.scatter.add.f32 [tilespmem:s23], [sflag:$0x9], $0x80, s24, s22, $0xb8;
	[tilespmem:$0x1EA00] =	vst v63  }
0x129: {  	_ =	swait.ge [sflag:s21], $0x2000  }
0x12a: {  	s13 =	sshra.s32 s13, $0x2;
	[sflag:s21] =	ssyncset.done $0x0  }
0x12b: {  	s5 =	sadd.s32 $0x100, s13;
	[sflag:s21] =	ssyncadd.s32 $0xFFFFE000  }
0x12c: {  	[tilespmem:s23], [sflag:$0x1] =	stream.indirect.gather [hbm4b:s2+s22], $0x80, s5, s22, $0xb8;
	[tilespmem:$0x1EA00] =	vst v63  }
0x12d: {  	_ = 	snop  }
0x12e: {  	[tilespmem:s24], [sflag:$0x5] =	stream.linear.gather [hbm4b:s16+s4], $0x40, $0x38;
	[tilespmem:$0x1EA00] =	vst v63  }
0x12f: {  	_ =	swait.ge [sflag:s9], $0x2000  }
0x130: {  	[sflag:s9] =	ssyncset.done $0x0  }
0x131: {  	[sflag:s9] =	ssyncadd.s32 $0xFFFFE000  }
0x132: {  	_ =	swait.ge [sflag:s28], $0x40  }
0x133: {  	[sflag:s28] =	ssyncset.done $0x0  }
0x134: {  	[sflag:s28] =	ssyncadd.s32 $0xFFFFFFC0  }
0x135: {  	[spmem:s3] =	stream.indirect.scatter.add.f32 [tilespmem:s25], [sflag:$0x9], $0x80, s26, s22, $0xb8;
	[tilespmem:$0x1EA00] =	vst v63  }
0x136: {  	_ =	swait.ge [sflag:s21], $0x2000  }
0x137: {  	[sflag:s21] =	ssyncset.done $0x0  }
0x138: {  	s5 =	sadd.s32 $0x140, s13;
	[sflag:s21] =	ssyncadd.s32 $0xFFFFE000  }
0x139: {  	[tilespmem:s25], [sflag:$0x2] =	stream.indirect.gather [hbm4b:s2+s22], $0x80, s5, s22, $0xb8;
	[tilespmem:$0x1EA00] =	vst v63  }
0x13a: {  	s5 =	sadd.s32 $0x8, s16  }
0x13b: {  	[tilespmem:s26], [sflag:$0x6] =	stream.linear.gather [hbm4b:s5+s4], $0x40, $0x38;
	[tilespmem:$0x1EA00] =	vst v63  }
0x13c: {  	_ =	swait.ge [sflag:s15], $0x2000  }
0x13d: {  	[sflag:s15] =	ssyncset.done $0x0  }
0x13e: {  	[sflag:s15] =	ssyncadd.s32 $0xFFFFE000  }
0x13f: {  	_ =	swait.ge [sflag:s31], $0x40  }
0x140: {  	[sflag:s31] =	ssyncset.done $0x0  }
0x141: {  	[sflag:s31] =	ssyncadd.s32 $0xFFFFFFC0  }
0x142: {  	[spmem:s3] =	stream.indirect.scatter.add.f32 [tilespmem:s29], [sflag:$0x9], $0x80, s30, s22, $0xb8;
	[tilespmem:$0x1EA00] =	vst v63  }
0x143: {  	_ =	swait.ge [sflag:s21], $0x2000  }
0x144: {  	[sflag:s21] =	ssyncset.done $0x0  }
0x145: {  	s5 =	sadd.s32 $0x180, s13;
	[sflag:s21] =	ssyncadd.s32 $0xFFFFE000  }
0x146: {  	[tilespmem:s29], [sflag:$0x3] =	stream.indirect.gather [hbm4b:s2+s22], $0x80, s5, s22, $0xb8;
	[tilespmem:$0x1EA00] =	vst v63  }
0x147: {  	s5 =	sadd.s32 $0x10, s16  }
0x148: {  	[tilespmem:s30], [sflag:$0x7] =	stream.linear.gather [hbm4b:s5+s4], $0x40, $0x38;
	[tilespmem:$0x1EA00] =	vst v63  }
0x149: {  	_ =	swait.ge [sflag:s17], $0x2000  }
0x14a: {  	[sflag:s17] =	ssyncset.done $0x0  }
0x14b: {  	[sflag:s17] =	ssyncadd.s32 $0xFFFFE000  }
0x14c: {  	_ =	swait.ge [sflag:s11], $0x40  }
0x14d: {  	[sflag:s11] =	ssyncset.done $0x0  }
0x14e: {  	[sflag:s11] =	ssyncadd.s32 $0xFFFFFFC0  }
0x14f: {  	[spmem:s3] =	stream.indirect.scatter.add.f32 [tilespmem:s0], [sflag:$0x9], $0x80, s1, s22, $0xb8;
	[tilespmem:$0x1EA00] =	vst v63  }
.Ltmp5:
0x150: {  	_ =	swait.ge [sflag:s21], $0x2000;
	(pc) =	sbr.rel @!p1 .LBB2_3-.Ltmp5, $4  }
0x151: {  	[sflag:s21] =	ssyncset.done $0x0  }
0x152: {  	s5 =	sadd.s32 $0x1C0, s13;
	[sflag:s21] =	ssyncadd.s32 $0xFFFFE000  }
0x153: {  	[tilespmem:s0], [sflag:$0x4] =	stream.indirect.gather [hbm4b:s2+s22], $0x80, s5, s22, $0xb8;
	[tilespmem:$0x1EA00] =	vst v63  }
0x154: {  	s13 =	sadd.s32 $0x18, s16;
	s16 =	sadd.s32 $0x20, s16  }
.Ltmp6:
0x155: {  	(pc) =	sbr.rel .LBB2_8-.Ltmp6, $3  }
0x156: {  	_ =	sdelay $0x1  }
0x157: {  	[tilespmem:s1], [sflag:$0x8] =	stream.linear.gather [hbm4b:s13+s4], $0x40, $0x38;
	[tilespmem:$0x1EA00] =	vst v63  }
0x158: {  	s13 =	rddreg [dreg:$0x5]  }
.LBB2_9:
0x159: {  	_ =	sfence.sel $0x180000  }
0x15a: {  	[bflag:$0x0] =	sbarrier.arrive $0xFFFF  }
0x15b: {  	_ =	strace $0x9000004A  }
0x15c: {  	s0 =	stileid.u32;
	[bflag:$0x2] =	sbarrier.arrive $0xFFFF  }
0x15d: {  	p0 =	sne.s32 s0, $0x0;
	s0 =	rddreg [dreg:$0x3]  }
0x15e: {  	s0 =	sadd.s32 @!p0 $0x100000, s0  }
0x15f: {  	[sflag:s0] =	ssyncadd.tile.s32 @!p0 $0x1;
	_ =	shalt  }
.Lfunc_end2:
_tile_overlayer_lowered:
.L_overlay_start_2:
0x160: {  	(tag) =	ssettag $0x2  }
0x161: {  	s0 =	rddreg [dreg:$0x0];
	s2 =	stileid.u32  }
0x162: {  	s1 =	rddreg [dreg:$0x1];
	p0 =	sne.s32 s2, $0x0  }
0x163: {  	s3 =	rddreg [dreg:$0x2];
	[bflag:$0x3] =	sbarrier.arrive $0xFFFF;
	s2 =	simm.s32 @!p0 $0x1C09  }
0x164: {  	[timem:s3], [sflag:s2] =	dma.local @!p0 [hbm:s0], s1  }
0x165: {  	s0 =	simm.s32 @!p0 $0x9  }
0x166: {  	_ =	swait.ge @!p0 [sflag:s0], s1  }
0x167: {  	s1 =	ssub.s32 @!p0 $0x0, s1;
	[sflag:s0] =	ssyncset.done @!p0 $0x0  }
0x168: {  	[sflag:s0] =	ssyncadd.s32 @!p0 s1  }
0x169: {  	[bflag:$0x3] =	sbarrier.arrive $0xFFFF  }
0x16a: {  	_ =	shalt  }

</sc_bundles>
